<compile_context>
chip_gen: v7x
topology: tpu7x:2x2x1
jax: 0.10.2.dev20260603
libtpu: 0.0.44.dev20260713+nightly
codegen_flags: <defaults>
</compile_context>

<pallas_src>
import functools

import jax
import jax.numpy as jnp
from jax import lax
from jax.experimental import pallas as pl
from jax.experimental.pallas import tpu as pltpu
from jax.experimental.pallas import tpu_sc as plsc

N = 10000
E = 320000
D = 128
G = 64

NC, NS = 2, 16
NW = NC * NS
CH = 128
NCH0 = 60
NCH1 = 97
NCHM = max(NCH0, NCH1)
ROWS_PT = 632
N_PAD = NS * ROWS_PT

_R = 2000
_NG = N // _R


def _leaky(v):
    return jnp.where(v >= 0, v, 0.01 * v)


def _sc_agg(h, src_p, dst_p, zrows):
    mesh = plsc.VectorSubcoreMesh(
        core_axis_name="c", subcore_axis_name="s",
        num_cores=NC, num_subcores=NS)

    @functools.partial(
        pl.kernel,
        out_type=jax.ShapeDtypeStruct((NC, N_PAD, D), jnp.float32),
        mesh=mesh,
        scratch_types=[
            pltpu.VMEM((NCHM, CH), jnp.int32),
            pltpu.VMEM((NCHM, CH), jnp.int32),
            pltpu.VMEM((CH, D), jnp.float32),
            pltpu.VMEM_SHARED((N_PAD, D), jnp.float32),
            pltpu.SemaphoreType.DMA,
        ],
    )
    def k(h_hbm, src_hbm, dst_hbm, z_hbm, out_hbm, sidx, didx, rows, agg, sem):
        c = lax.axis_index("c")
        s = lax.axis_index("s")
        pltpu.sync_copy(z_hbm, agg.at[pl.ds(s * ROWS_PT, ROWS_PT)])
        pltpu.sync_copy(src_hbm.at[c].at[s], sidx)
        pltpu.sync_copy(dst_hbm.at[c].at[s], didx)
        plsc.subcore_barrier()

        def body(j, carry):
            pltpu.async_copy(h_hbm.at[sidx.at[j]], rows, sem).wait()
            pltpu.sync_copy(rows, agg.at[didx.at[j]], add=True)
            return carry

        lax.fori_loop(0, jnp.where(c == 0, NCH0, NCH1), body, 0)
        plsc.subcore_barrier()
        pltpu.sync_copy(agg.at[pl.ds(s * ROWS_PT, ROWS_PT)],
                        out_hbm.at[c].at[pl.ds(s * ROWS_PT, ROWS_PT)])

    return k(h, src_p, dst_p, zrows)


def _tc_proj(x, W0, b0, W1, b1):
    def body(x_ref, w0_ref, b0_ref, w1_ref, b1_ref, o_ref):
        h = _leaky(lax.dot_general(x_ref[...], w0_ref[...],
                                   (((1,), (1,)), ((), ())),
                                   preferred_element_type=jnp.float32)
                   + b0_ref[...])
        o_ref[...] = _leaky(lax.dot_general(h, w1_ref[...],
                                            (((1,), (1,)), ((), ())),
                                            preferred_element_type=jnp.float32)
                            + b1_ref[...])

    return pl.pallas_call(
        body,
        grid=(_NG,),
        in_specs=[pl.BlockSpec((_R, D), lambda i: (i, 0)),
                  pl.BlockSpec((D, D), lambda i: (0, 0)),
                  pl.BlockSpec((1, D), lambda i: (0, 0)),
                  pl.BlockSpec((D, D), lambda i: (0, 0)),
                  pl.BlockSpec((1, D), lambda i: (0, 0))],
        out_specs=pl.BlockSpec((_R, D), lambda i: (i, 0)),
        out_shape=jax.ShapeDtypeStruct((N, D), jnp.float32),
    )(x, W0, b0.reshape(1, D), W1, b1.reshape(1, D))


def _tc_root(h, roW, rb):
    def body(h_ref, w_ref, b_ref, o_ref):
        o_ref[...] = lax.dot_general(h_ref[...], w_ref[...],
                                     (((1,), (1,)), ((), ())),
                                     preferred_element_type=jnp.float32
                                     ) + b_ref[...]

    return pl.pallas_call(
        body,
        grid=(_NG,),
        in_specs=[pl.BlockSpec((_R, D), lambda i: (i, 0)),
                  pl.BlockSpec((D, D), lambda i: (0, 0)),
                  pl.BlockSpec((1, D), lambda i: (0, 0))],
        out_specs=pl.BlockSpec((_R, D), lambda i: (i, 0)),
        out_shape=jax.ShapeDtypeStruct((N, D), jnp.float32),
    )(h, roW, rb.reshape(1, D))


def _tc_layer(parts, root, resid, rW, lg, lb):
    def body(a_ref, b_ref, rt_ref, r_ref, rw_ref, lg_ref, lb_ref, o_ref):
        agg = a_ref[0] + b_ref[0]
        new = lax.dot_general(agg, rw_ref[...], (((1,), (1,)), ((), ())),
                              preferred_element_type=jnp.float32) + rt_ref[...]
        mu = jnp.mean(new, axis=-1, keepdims=True)
        var = jnp.mean((new - mu) ** 2, axis=-1, keepdims=True)
        new = (new - mu) * lax.rsqrt(var + 1e-5) * lg_ref[...] + lb_ref[...]
        o_ref[...] = _leaky(new) + r_ref[...]

    return pl.pallas_call(
        body,
        grid=(_NG,),
        in_specs=[pl.BlockSpec((1, _R, D), lambda i: (0, i, 0)),
                  pl.BlockSpec((1, _R, D), lambda i: (1, i, 0)),
                  pl.BlockSpec((_R, D), lambda i: (i, 0)),
                  pl.BlockSpec((_R, D), lambda i: (i, 0)),
                  pl.BlockSpec((D, D), lambda i: (0, 0)),
                  pl.BlockSpec((1, D), lambda i: (0, 0)),
                  pl.BlockSpec((1, D), lambda i: (0, 0))],
        out_specs=pl.BlockSpec((_R, D), lambda i: (i, 0)),
        out_shape=jax.ShapeDtypeStruct((N, D), jnp.float32),
    )(parts, parts, root, resid, rW, lg.reshape(1, D), lb.reshape(1, D))


def _tc_layer_pool(parts, root, resid, rW, lg, lb, batch2d):
    def body(a_ref, b_ref, rt_ref, r_ref, rw_ref, lg_ref, lb_ref, bt_ref,
             o_ref, s_sum, s_cnt):
        i = pl.program_id(0)

        @pl.when(i == 0)
        def _():
            s_sum[...] = jnp.zeros_like(s_sum)
            s_cnt[...] = jnp.zeros_like(s_cnt)

        agg = a_ref[0] + b_ref[0]
        new = lax.dot_general(agg, rw_ref[...], (((1,), (1,)), ((), ())),
                              preferred_element_type=jnp.float32) + rt_ref[...]
        mu = jnp.mean(new, axis=-1, keepdims=True)
        var = jnp.mean((new - mu) ** 2, axis=-1, keepdims=True)
        new = (new - mu) * lax.rsqrt(var + 1e-5) * lg_ref[...] + lb_ref[...]
        h2 = _leaky(new) + r_ref[...]

        oh = (bt_ref[...] == lax.broadcasted_iota(jnp.int32, (_R, G), 1)
              ).astype(jnp.float32)
        s_sum[...] += lax.dot_general(oh, h2, (((0,), (0,)), ((), ())),
                                      preferred_element_type=jnp.float32)
        s_cnt[...] += lax.dot_general(oh, jnp.ones((_R, 1), jnp.float32),
                                      (((0,), (0,)), ((), ())),
                                      preferred_element_type=jnp.float32)

        @pl.when(i == _NG - 1)
        def _():
            o_ref[...] = s_sum[...] / jnp.maximum(s_cnt[...], 1.0)

    return pl.pallas_call(
        body,
        grid=(_NG,),
        in_specs=[pl.BlockSpec((1, _R, D), lambda i: (0, i, 0)),
                  pl.BlockSpec((1, _R, D), lambda i: (1, i, 0)),
                  pl.BlockSpec((_R, D), lambda i: (i, 0)),
                  pl.BlockSpec((_R, D), lambda i: (i, 0)),
                  pl.BlockSpec((D, D), lambda i: (0, 0)),
                  pl.BlockSpec((1, D), lambda i: (0, 0)),
                  pl.BlockSpec((1, D), lambda i: (0, 0)),
                  pl.BlockSpec((_R, 1), lambda i: (i, 0))],
        out_specs=pl.BlockSpec((G, D), lambda i: (0, 0)),
        out_shape=jax.ShapeDtypeStruct((G, D), jnp.float32),
        scratch_shapes=[pltpu.VMEM((G, D), jnp.float32),
                        pltpu.VMEM((G, 1), jnp.float32)],
    )(parts, parts, root, resid, rW, lg.reshape(1, D), lb.reshape(1, D),
      batch2d)


def kernel(x, edge_index, batch, proj_W0, proj_b0, proj_W1, proj_b1,
           rel_W0, rel_b0, root_W0, ln_g0, ln_b0,
           rel_W1, rel_b1, root_W1, ln_g1, ln_b1):
    x = x.astype(jnp.float32)
    src, dst = edge_index[0], edge_index[1]
    e0 = NS * NCH0 * CH
    pad1 = NS * NCH1 * CH - (E - e0)

    def _part(v, fill):
        p0 = v[:e0].reshape(NS, NCH0, CH)
        p0 = jnp.pad(p0, ((0, 0), (0, NCHM - NCH0), (0, 0)),
                     constant_values=fill)
        p1 = jnp.concatenate([v[e0:], jnp.full((pad1,), fill, jnp.int32)]
                             ).reshape(NS, NCH1, CH)
        p1 = jnp.pad(p1, ((0, 0), (0, NCHM - NCH1), (0, 0)),
                     constant_values=fill)
        return jnp.stack([p0, p1])

    src_p = _part(src, 0)
    dst_p = _part(dst, N)
    zrows = jnp.zeros((ROWS_PT, D), jnp.float32)

    h = _tc_proj(x, proj_W0, proj_b0, proj_W1, proj_b1)
    root0 = _tc_root(h, root_W0, rel_b0)
    parts = _sc_agg(h, src_p, dst_p, zrows)
    h1 = _tc_layer(parts, root0, x, rel_W0, ln_g0, ln_b0)
    root1 = _tc_root(h1, root_W1, rel_b1)
    parts = _sc_agg(h1, src_p, dst_p, zrows)
    return _tc_layer_pool(parts, root1, h1, rel_W1, ln_g1, ln_b1,
                          batch.reshape(N, 1))

# --- scband reference (transcript-rebuilt; emitter-appended) ---
"""Pipeline reference for scband-node-convolution-19481971655355 (READ-ONLY COPY).

The authoritative reference and input builder live on the scoring server;
editing this copy changes nothing except your own understanding.
"""

import jax, jax.numpy as jnp
import numpy as np

N, E, D, G = 10000, 320000, 128, 64


def _leaky(x):
    return jnp.where(x >= 0, x, 0.01 * x)


def _layer_norm(x, g, b, eps=1e-5):
    mu = jnp.mean(x, axis=-1, keepdims=True)
    var = jnp.mean((x - mu) ** 2, axis=-1, keepdims=True)
    return (x - mu) / jnp.sqrt(var + eps) * g + b


def setup_inputs(seed: int = 0):
    key = jax.random.key(seed)
    ks = jax.random.split(key, 20)
    s = 1.0 / np.sqrt(D)
    inp = {}
    inp["x"] = jax.random.normal(ks[0], (N, D), dtype=jnp.float32)
    inp["edge_index"] = jax.random.randint(ks[1], (2, E), 0, N, dtype=jnp.int32)
    inp["batch"] = jnp.sort(jax.random.randint(ks[2], (N,), 0, G, dtype=jnp.int32))
    # projection MLP params (two Linear layers 128->128)
    inp["proj_W0"] = jax.random.normal(ks[3], (D, D), jnp.float32) * s
    inp["proj_b0"] = jnp.zeros((D,), jnp.float32)
    inp["proj_W1"] = jax.random.normal(ks[4], (D, D), jnp.float32) * s
    inp["proj_b1"] = jnp.zeros((D,), jnp.float32)
    # GraphConv layer 0: lin_rel (with bias) + lin_root (no bias), plus LayerNorm
    inp["rel_W0"] = jax.random.normal(ks[5], (D, D), jnp.float32) * s
    inp["rel_b0"] = jnp.zeros((D,), jnp.float32)
    inp["root_W0"] = jax.random.normal(ks[6], (D, D), jnp.float32) * s
    inp["ln_g0"] = jnp.ones((D,), jnp.float32)
    inp["ln_b0"] = jnp.zeros((D,), jnp.float32)
    # GraphConv layer 1
    inp["rel_W1"] = jax.random.normal(ks[7], (D, D), jnp.float32) * s
    inp["rel_b1"] = jnp.zeros((D,), jnp.float32)
    inp["root_W1"] = jax.random.normal(ks[8], (D, D), jnp.float32) * s
    inp["ln_g1"] = jnp.ones((D,), jnp.float32)
    inp["ln_b1"] = jnp.zeros((D,), jnp.float32)
    return inp


def reference(x, edge_index, batch, proj_W0, proj_b0, proj_W1, proj_b1,
              rel_W0, rel_b0, root_W0, ln_g0, ln_b0,
              rel_W1, rel_b1, root_W1, ln_g1, ln_b1):
    x = x.astype(jnp.float32)
    residual = x
    # projection layers: Linear -> LeakyReLU(0.01) -> Dropout(eval=identity)
    h = _leaky(x @ proj_W0.T + proj_b0)
    h = _leaky(h @ proj_W1.T + proj_b1)
    src, dst = edge_index[0], edge_index[1]
    layers = [(rel_W0, rel_b0, root_W0, ln_g0, ln_b0),
              (rel_W1, rel_b1, root_W1, ln_g1, ln_b1)]
    for (rW, rb, roW, lg, lb) in layers:
        # GraphConv: W_rel * sum_{j in N(i)} h_j + b_rel + W_root * h_i
        agg = jnp.zeros_like(h).at[dst].add(h[src])
        new = agg @ rW.T + rb + h @ roW.T
        new = _layer_norm(new, lg, lb)
        new = _leaky(new)
        if new.shape == residual.shape:
            h = new + residual
        else:
            h = new
        residual = h
    # global_mean_pool over batch ids
    sums = jnp.zeros((G, h.shape[1]), h.dtype).at[batch].add(h)
    counts = jnp.zeros((G,), h.dtype).at[batch].add(1.0)
    return sums / jnp.maximum(counts, 1.0)[:, None]

if __name__ == "__main__":
    import jax
    _d = setup_inputs()
    print(jax.jit(kernel)(*tuple(_d.values())))

</pallas_src>

<mosaic_0001>
#map = affine_map<(d0, d1) -> (0, 0)>
#map1 = affine_map<(d0, d1) -> (0, 0, 0, 0)>
#map2 = affine_map<(d0, d1) -> (0, 0, 0)>
module attributes {stable_mosaic.version = 14 : i64} {
  func.func @k(%arg0: i32, %arg1: i32, %arg2: memref<10000x128xf32, #tpu.memory_space<hbm>>, %arg3: memref<2x16x97x128xi32, #tpu.memory_space<hbm>>, %arg4: memref<2x16x97x128xi32, #tpu.memory_space<hbm>>, %arg5: memref<632x128xf32, #tpu.memory_space<hbm>>, %arg6: memref<2x10112x128xf32, #tpu.memory_space<hbm>>, %arg7: memref<97x128xi32, #tpu.memory_space<vmem>>, %arg8: memref<97x128xi32, #tpu.memory_space<vmem>>, %arg9: memref<128x128xf32, #tpu.memory_space<vmem>>, %arg10: memref<10112x128xf32, #tpu.memory_space<vmem_shared>>, %arg11: memref<!tpu.dma_semaphore, #tpu.memory_space<semaphore_mem>>) attributes {dimension_semantics = [#tpu.dimension_semantics<core_parallel>, #tpu.dimension_semantics<subcore_parallel>], iteration_bounds = array<i64: 2, 16>, scalar_prefetch = 0 : i64, scratch_operands = 5 : i64, tpu.core_type = #tpu.core_type<sc_vector_subcore>, window_params = [{transform_indices = #map}, {transform_indices = #map1}, {transform_indices = #map1}, {transform_indices = #map}, {transform_indices = #map2}]} {
    %mul3A = arith.constant 632 : i32
    %mul3A_0 = arith.muli %arg1, %mul3A : i32
    "tpu.region"() ({
      %run_scoped3A = tpu.sem_alloc : memref<!tpu.dma_semaphore, #tpu.memory_space<semaphore_mem>>
      %dma_start3A = arith.constant 0 : i32
      %dma_start3A_17 = tpu.memref_slice %arg10[%mul3A_0, %dma_start3A] : memref<10112x128xf32, #tpu.memory_space<vmem_shared>> -> memref<632x128xf32, #tpu.memory_space<vmem_shared>>
      tpu.enqueue_dma source(%arg5 : memref<632x128xf32, #tpu.memory_space<hbm>>) target(%dma_start3A_17 : memref<632x128xf32, #tpu.memory_space<vmem_shared>>) target_semaphore(%run_scoped3A : memref<!tpu.dma_semaphore, #tpu.memory_space<semaphore_mem>>)
      %dma_wait3A = arith.constant 0 : i32
      %dma_wait3A_18 = tpu.memref_slice %arg10[%mul3A_0, %dma_wait3A] : memref<10112x128xf32, #tpu.memory_space<vmem_shared>> -> memref<632x128xf32, #tpu.memory_space<vmem_shared>>
      tpu.wait_dma2 semaphore(%run_scoped3A : memref<!tpu.dma_semaphore, #tpu.memory_space<semaphore_mem>>) src(%arg5 : memref<632x128xf32, #tpu.memory_space<hbm>>) dst(%dma_wait3A_18 : memref<632x128xf32, #tpu.memory_space<vmem_shared>>)
      tpu.yield
    }) : () -> ()
    "tpu.region"() ({
      %run_scoped3A = tpu.sem_alloc : memref<!tpu.dma_semaphore, #tpu.memory_space<semaphore_mem>>
      %dma_start3A = arith.constant 0 : i32
      %dma_start3A_17 = arith.constant 0 : i32
      %dma_start3A_18 = arith.constant 0 : i32
      %dma_start3A_19 = tpu.memref_slice %arg3[%arg0, %dma_start3A, %dma_start3A_17, %dma_start3A_18] : memref<2x16x97x128xi32, #tpu.memory_space<hbm>> -> memref<1x16x97x128xi32, #tpu.memory_space<hbm>>
      %dma_start3A_20 = tpu.memref_squeeze %dma_start3A_19 : memref<1x16x97x128xi32, #tpu.memory_space<hbm>> -> memref<16x97x128xi32, #tpu.memory_space<hbm>>
      %dma_start3A_21 = arith.constant 0 : i32
      %dma_start3A_22 = arith.constant 0 : i32
      %dma_start3A_23 = tpu.memref_slice %dma_start3A_20[%arg1, %dma_start3A_21, %dma_start3A_22] : memref<16x97x128xi32, #tpu.memory_space<hbm>> -> memref<1x97x128xi32, #tpu.memory_space<hbm>>
      %dma_start3A_24 = tpu.memref_squeeze %dma_start3A_23 : memref<1x97x128xi32, #tpu.memory_space<hbm>> -> memref<97x128xi32, #tpu.memory_space<hbm>>
      %dma_start3A_25 = arith.constant 0 : i32
      %dma_start3A_26 = arith.constant 0 : i32
      %dma_start3A_27 = arith.constant 0 : i32
      %dma_start3A_28 = tpu.memref_slice %arg3[%arg0, %dma_start3A_25, %dma_start3A_26, %dma_start3A_27] : memref<2x16x97x128xi32, #tpu.memory_space<hbm>> -> memref<1x16x97x128xi32, #tpu.memory_space<hbm>>
      %dma_start3A_29 = tpu.memref_squeeze %dma_start3A_28 : memref<1x16x97x128xi32, #tpu.memory_space<hbm>> -> memref<16x97x128xi32, #tpu.memory_space<hbm>>
      %dma_start3A_30 = arith.constant 0 : i32
      %dma_start3A_31 = arith.constant 0 : i32
      %dma_start3A_32 = tpu.memref_slice %dma_start3A_29[%arg1, %dma_start3A_30, %dma_start3A_31] : memref<16x97x128xi32, #tpu.memory_space<hbm>> -> memref<1x97x128xi32, #tpu.memory_space<hbm>>
      %dma_start3A_33 = tpu.memref_squeeze %dma_start3A_32 : memref<1x97x128xi32, #tpu.memory_space<hbm>> -> memref<97x128xi32, #tpu.memory_space<hbm>>
      tpu.enqueue_dma source(%dma_start3A_33 : memref<97x128xi32, #tpu.memory_space<hbm>>) target(%arg7 : memref<97x128xi32, #tpu.memory_space<vmem>>) target_semaphore(%run_scoped3A : memref<!tpu.dma_semaphore, #tpu.memory_space<semaphore_mem>>)
      %dma_wait3A = arith.constant 0 : i32
      %dma_wait3A_34 = arith.constant 0 : i32
      %dma_wait3A_35 = arith.constant 0 : i32
      %dma_wait3A_36 = tpu.memref_slice %arg3[%arg0, %dma_wait3A, %dma_wait3A_34, %dma_wait3A_35] : memref<2x16x97x128xi32, #tpu.memory_space<hbm>> -> memref<1x16x97x128xi32, #tpu.memory_space<hbm>>
      %dma_wait3A_37 = tpu.memref_squeeze %dma_wait3A_36 : memref<1x16x97x128xi32, #tpu.memory_space<hbm>> -> memref<16x97x128xi32, #tpu.memory_space<hbm>>
      %dma_wait3A_38 = arith.constant 0 : i32
      %dma_wait3A_39 = arith.constant 0 : i32
      %dma_wait3A_40 = tpu.memref_slice %dma_wait3A_37[%arg1, %dma_wait3A_38, %dma_wait3A_39] : memref<16x97x128xi32, #tpu.memory_space<hbm>> -> memref<1x97x128xi32, #tpu.memory_space<hbm>>
      %dma_wait3A_41 = tpu.memref_squeeze %dma_wait3A_40 : memref<1x97x128xi32, #tpu.memory_space<hbm>> -> memref<97x128xi32, #tpu.memory_space<hbm>>
      %dma_wait3A_42 = arith.constant 0 : i32
      %dma_wait3A_43 = arith.constant 0 : i32
      %dma_wait3A_44 = arith.constant 0 : i32
      %dma_wait3A_45 = tpu.memref_slice %arg3[%arg0, %dma_wait3A_42, %dma_wait3A_43, %dma_wait3A_44] : memref<2x16x97x128xi32, #tpu.memory_space<hbm>> -> memref<1x16x97x128xi32, #tpu.memory_space<hbm>>
      %dma_wait3A_46 = tpu.memref_squeeze %dma_wait3A_45 : memref<1x16x97x128xi32, #tpu.memory_space<hbm>> -> memref<16x97x128xi32, #tpu.memory_space<hbm>>
      %dma_wait3A_47 = arith.constant 0 : i32
      %dma_wait3A_48 = arith.constant 0 : i32
      %dma_wait3A_49 = tpu.memref_slice %dma_wait3A_46[%arg1, %dma_wait3A_47, %dma_wait3A_48] : memref<16x97x128xi32, #tpu.memory_space<hbm>> -> memref<1x97x128xi32, #tpu.memory_space<hbm>>
      %dma_wait3A_50 = tpu.memref_squeeze %dma_wait3A_49 : memref<1x97x128xi32, #tpu.memory_space<hbm>> -> memref<97x128xi32, #tpu.memory_space<hbm>>
      tpu.wait_dma2 semaphore(%run_scoped3A : memref<!tpu.dma_semaphore, #tpu.memory_space<semaphore_mem>>) src(%dma_wait3A_50 : memref<97x128xi32, #tpu.memory_space<hbm>>) dst(%arg7 : memref<97x128xi32, #tpu.memory_space<vmem>>)
      tpu.yield
    }) : () -> ()
    "tpu.region"() ({
      %run_scoped3A = tpu.sem_alloc : memref<!tpu.dma_semaphore, #tpu.memory_space<semaphore_mem>>
      %dma_start3A = arith.constant 0 : i32
      %dma_start3A_17 = arith.constant 0 : i32
      %dma_start3A_18 = arith.constant 0 : i32
      %dma_start3A_19 = tpu.memref_slice %arg4[%arg0, %dma_start3A, %dma_start3A_17, %dma_start3A_18] : memref<2x16x97x128xi32, #tpu.memory_space<hbm>> -> memref<1x16x97x128xi32, #tpu.memory_space<hbm>>
      %dma_start3A_20 = tpu.memref_squeeze %dma_start3A_19 : memref<1x16x97x128xi32, #tpu.memory_space<hbm>> -> memref<16x97x128xi32, #tpu.memory_space<hbm>>
      %dma_start3A_21 = arith.constant 0 : i32
      %dma_start3A_22 = arith.constant 0 : i32
      %dma_start3A_23 = tpu.memref_slice %dma_start3A_20[%arg1, %dma_start3A_21, %dma_start3A_22] : memref<16x97x128xi32, #tpu.memory_space<hbm>> -> memref<1x97x128xi32, #tpu.memory_space<hbm>>
      %dma_start3A_24 = tpu.memref_squeeze %dma_start3A_23 : memref<1x97x128xi32, #tpu.memory_space<hbm>> -> memref<97x128xi32, #tpu.memory_space<hbm>>
      %dma_start3A_25 = arith.constant 0 : i32
      %dma_start3A_26 = arith.constant 0 : i32
      %dma_start3A_27 = arith.constant 0 : i32
      %dma_start3A_28 = tpu.memref_slice %arg4[%arg0, %dma_start3A_25, %dma_start3A_26, %dma_start3A_27] : memref<2x16x97x128xi32, #tpu.memory_space<hbm>> -> memref<1x16x97x128xi32, #tpu.memory_space<hbm>>
      %dma_start3A_29 = tpu.memref_squeeze %dma_start3A_28 : memref<1x16x97x128xi32, #tpu.memory_space<hbm>> -> memref<16x97x128xi32, #tpu.memory_space<hbm>>
      %dma_start3A_30 = arith.constant 0 : i32
      %dma_start3A_31 = arith.constant 0 : i32
      %dma_start3A_32 = tpu.memref_slice %dma_start3A_29[%arg1, %dma_start3A_30, %dma_start3A_31] : memref<16x97x128xi32, #tpu.memory_space<hbm>> -> memref<1x97x128xi32, #tpu.memory_space<hbm>>
      %dma_start3A_33 = tpu.memref_squeeze %dma_start3A_32 : memref<1x97x128xi32, #tpu.memory_space<hbm>> -> memref<97x128xi32, #tpu.memory_space<hbm>>
      tpu.enqueue_dma source(%dma_start3A_33 : memref<97x128xi32, #tpu.memory_space<hbm>>) target(%arg8 : memref<97x128xi32, #tpu.memory_space<vmem>>) target_semaphore(%run_scoped3A : memref<!tpu.dma_semaphore, #tpu.memory_space<semaphore_mem>>)
      %dma_wait3A = arith.constant 0 : i32
      %dma_wait3A_34 = arith.constant 0 : i32
      %dma_wait3A_35 = arith.constant 0 : i32
      %dma_wait3A_36 = tpu.memref_slice %arg4[%arg0, %dma_wait3A, %dma_wait3A_34, %dma_wait3A_35] : memref<2x16x97x128xi32, #tpu.memory_space<hbm>> -> memref<1x16x97x128xi32, #tpu.memory_space<hbm>>
      %dma_wait3A_37 = tpu.memref_squeeze %dma_wait3A_36 : memref<1x16x97x128xi32, #tpu.memory_space<hbm>> -> memref<16x97x128xi32, #tpu.memory_space<hbm>>
      %dma_wait3A_38 = arith.constant 0 : i32
      %dma_wait3A_39 = arith.constant 0 : i32
      %dma_wait3A_40 = tpu.memref_slice %dma_wait3A_37[%arg1, %dma_wait3A_38, %dma_wait3A_39] : memref<16x97x128xi32, #tpu.memory_space<hbm>> -> memref<1x97x128xi32, #tpu.memory_space<hbm>>
      %dma_wait3A_41 = tpu.memref_squeeze %dma_wait3A_40 : memref<1x97x128xi32, #tpu.memory_space<hbm>> -> memref<97x128xi32, #tpu.memory_space<hbm>>
      %dma_wait3A_42 = arith.constant 0 : i32
      %dma_wait3A_43 = arith.constant 0 : i32
      %dma_wait3A_44 = arith.constant 0 : i32
      %dma_wait3A_45 = tpu.memref_slice %arg4[%arg0, %dma_wait3A_42, %dma_wait3A_43, %dma_wait3A_44] : memref<2x16x97x128xi32, #tpu.memory_space<hbm>> -> memref<1x16x97x128xi32, #tpu.memory_space<hbm>>
      %dma_wait3A_46 = tpu.memref_squeeze %dma_wait3A_45 : memref<1x16x97x128xi32, #tpu.memory_space<hbm>> -> memref<16x97x128xi32, #tpu.memory_space<hbm>>
      %dma_wait3A_47 = arith.constant 0 : i32
      %dma_wait3A_48 = arith.constant 0 : i32
      %dma_wait3A_49 = tpu.memref_slice %dma_wait3A_46[%arg1, %dma_wait3A_47, %dma_wait3A_48] : memref<16x97x128xi32, #tpu.memory_space<hbm>> -> memref<1x97x128xi32, #tpu.memory_space<hbm>>
      %dma_wait3A_50 = tpu.memref_squeeze %dma_wait3A_49 : memref<1x97x128xi32, #tpu.memory_space<hbm>> -> memref<97x128xi32, #tpu.memory_space<hbm>>
      tpu.wait_dma2 semaphore(%run_scoped3A : memref<!tpu.dma_semaphore, #tpu.memory_space<semaphore_mem>>) src(%dma_wait3A_50 : memref<97x128xi32, #tpu.memory_space<hbm>>) dst(%arg8 : memref<97x128xi32, #tpu.memory_space<vmem>>)
      tpu.yield
    }) : () -> ()
    %barrier3A = arith.constant 0 : index
    tpu.barrier barrier_id(%barrier3A)
    %eq3A = arith.constant 0 : i32
    %eq3A_1 = arith.cmpi eq, %arg0, %eq3A : i32
    %jit3A = arith.constant 60 : i32
    %jit3A_2 = arith.constant 97 : i32
    %select_n3A = arith.select %eq3A_1, %jit3A, %jit3A_2 : i32
    %while3A = arith.constant 0 : i32
    %while3A_3 = arith.constant 0 : i32
    %while3A_4 = arith.subi %select_n3A, %while3A_3 : i32
    %while3A_5 = arith.addi %while3A_3, %while3A_4 : i32
    %while3A_6 = arith.constant 1 : i32
    %while3A_7 = arith.divsi %while3A_4, %while3A_6 : i32
    %while3A_8 = arith.muli %while3A_7, %while3A_6 : i32
    %while3A_9 = arith.addi %while3A_3, %while3A_8 : i32
    %while3A_10 = arith.constant 1 : i32
    scf.for %while3A_17 = %while3A_3 to %while3A_9 step %while3A_10  : i32 {
      %dma_start3A = arith.constant 0 : i32
      %dma_start3A_18 = tpu.memref_slice %arg7[%while3A_17, %dma_start3A] : memref<97x128xi32, #tpu.memory_space<vmem>> -> memref<1x128xi32, #tpu.memory_space<vmem>>
      %dma_start3A_19 = tpu.memref_squeeze %dma_start3A_18 : memref<1x128xi32, #tpu.memory_space<vmem>> -> memref<128xi32, #tpu.memory_space<vmem>>
      %dma_start3A_20 = arith.constant 0 : i32
      %dma_start3A_21 = arith.constant 0 : i32
      %dma_start3A_22 = tpu.memref_slice %arg2[%dma_start3A_20, %dma_start3A_21] : memref<10000x128xf32, #tpu.memory_space<hbm>> -> memref<10000x128xf32, #tpu.memory_space<hbm>>
      tpu.enqueue_indirect_dma source(%dma_start3A_22 : memref<10000x128xf32, #tpu.memory_space<hbm>>) target(%arg9 : memref<128x128xf32, #tpu.memory_space<vmem>>) offsets(%dma_start3A_19 : memref<128xi32, #tpu.memory_space<vmem>>) semaphore(%arg11 : memref<!tpu.dma_semaphore, #tpu.memory_space<semaphore_mem>>)
      %dma_wait3A = arith.constant 0 : i32
      %dma_wait3A_23 = tpu.memref_slice %arg7[%while3A_17, %dma_wait3A] : memref<97x128xi32, #tpu.memory_space<vmem>> -> memref<1x128xi32, #tpu.memory_space<vmem>>
      %dma_wait3A_24 = tpu.memref_squeeze %dma_wait3A_23 : memref<1x128xi32, #tpu.memory_space<vmem>> -> memref<128xi32, #tpu.memory_space<vmem>>
      %dma_wait3A_25 = arith.constant 0 : i32
      %dma_wait3A_26 = arith.constant 0 : i32
      %dma_wait3A_27 = tpu.memref_slice %arg2[%dma_wait3A_25, %dma_wait3A_26] : memref<10000x128xf32, #tpu.memory_space<hbm>> -> memref<10000x128xf32, #tpu.memory_space<hbm>>
      tpu.wait_indirect_dma semaphore(%arg11 : memref<!tpu.dma_semaphore, #tpu.memory_space<semaphore_mem>>) src(%dma_wait3A_27 : memref<10000x128xf32, #tpu.memory_space<hbm>>) dst(%arg9 : memref<128x128xf32, #tpu.memory_space<vmem>>)
      "tpu.region"() ({
        %run_scoped3A = tpu.sem_alloc : memref<!tpu.dma_semaphore, #tpu.memory_space<semaphore_mem>>
        %dma_start3A_28 = arith.constant 0 : i32
        %dma_start3A_29 = tpu.memref_slice %arg8[%while3A_17, %dma_start3A_28] : memref<97x128xi32, #tpu.memory_space<vmem>> -> memref<1x128xi32, #tpu.memory_space<vmem>>
        %dma_start3A_30 = tpu.memref_squeeze %dma_start3A_29 : memref<1x128xi32, #tpu.memory_space<vmem>> -> memref<128xi32, #tpu.memory_space<vmem>>
        %dma_start3A_31 = arith.constant 0 : i32
        %dma_start3A_32 = arith.constant 0 : i32
        %dma_start3A_33 = tpu.memref_slice %arg10[%dma_start3A_31, %dma_start3A_32] : memref<10112x128xf32, #tpu.memory_space<vmem_shared>> -> memref<10112x128xf32, #tpu.memory_space<vmem_shared>>
        tpu.enqueue_indirect_dma source(%arg9 : memref<128x128xf32, #tpu.memory_space<vmem>>) target(%dma_start3A_33 : memref<10112x128xf32, #tpu.memory_space<vmem_shared>>) offsets(%dma_start3A_30 : memref<128xi32, #tpu.memory_space<vmem>>) semaphore(%run_scoped3A : memref<!tpu.dma_semaphore, #tpu.memory_space<semaphore_mem>>) {add = true}
        %dma_wait3A_34 = arith.constant 0 : i32
        %dma_wait3A_35 = tpu.memref_slice %arg8[%while3A_17, %dma_wait3A_34] : memref<97x128xi32, #tpu.memory_space<vmem>> -> memref<1x128xi32, #tpu.memory_space<vmem>>
        %dma_wait3A_36 = tpu.memref_squeeze %dma_wait3A_35 : memref<1x128xi32, #tpu.memory_space<vmem>> -> memref<128xi32, #tpu.memory_space<vmem>>
        %dma_wait3A_37 = arith.constant 0 : i32
        %dma_wait3A_38 = arith.constant 0 : i32
        %dma_wait3A_39 = tpu.memref_slice %arg10[%dma_wait3A_37, %dma_wait3A_38] : memref<10112x128xf32, #tpu.memory_space<vmem_shared>> -> memref<10112x128xf32, #tpu.memory_space<vmem_shared>>
        tpu.wait_indirect_dma semaphore(%run_scoped3A : memref<!tpu.dma_semaphore, #tpu.memory_space<semaphore_mem>>) src(%arg9 : memref<128x128xf32, #tpu.memory_space<vmem>>) dst(%dma_wait3A_39 : memref<10112x128xf32, #tpu.memory_space<vmem_shared>>)
        tpu.yield
      }) : () -> ()
    }
    %while3A_11 = arith.constant 1 : i32
    scf.for %while3A_17 = %while3A_9 to %while3A_5 step %while3A_11  : i32 {
      %dma_start3A = arith.constant 0 : i32
      %dma_start3A_18 = tpu.memref_slice %arg7[%while3A_17, %dma_start3A] : memref<97x128xi32, #tpu.memory_space<vmem>> -> memref<1x128xi32, #tpu.memory_space<vmem>>
      %dma_start3A_19 = tpu.memref_squeeze %dma_start3A_18 : memref<1x128xi32, #tpu.memory_space<vmem>> -> memref<128xi32, #tpu.memory_space<vmem>>
      %dma_start3A_20 = arith.constant 0 : i32
      %dma_start3A_21 = arith.constant 0 : i32
      %dma_start3A_22 = tpu.memref_slice %arg2[%dma_start3A_20, %dma_start3A_21] : memref<10000x128xf32, #tpu.memory_space<hbm>> -> memref<10000x128xf32, #tpu.memory_space<hbm>>
      tpu.enqueue_indirect_dma source(%dma_start3A_22 : memref<10000x128xf32, #tpu.memory_space<hbm>>) target(%arg9 : memref<128x128xf32, #tpu.memory_space<vmem>>) offsets(%dma_start3A_19 : memref<128xi32, #tpu.memory_space<vmem>>) semaphore(%arg11 : memref<!tpu.dma_semaphore, #tpu.memory_space<semaphore_mem>>)
      %dma_wait3A = arith.constant 0 : i32
      %dma_wait3A_23 = tpu.memref_slice %arg7[%while3A_17, %dma_wait3A] : memref<97x128xi32, #tpu.memory_space<vmem>> -> memref<1x128xi32, #tpu.memory_space<vmem>>
      %dma_wait3A_24 = tpu.memref_squeeze %dma_wait3A_23 : memref<1x128xi32, #tpu.memory_space<vmem>> -> memref<128xi32, #tpu.memory_space<vmem>>
      %dma_wait3A_25 = arith.constant 0 : i32
      %dma_wait3A_26 = arith.constant 0 : i32
      %dma_wait3A_27 = tpu.memref_slice %arg2[%dma_wait3A_25, %dma_wait3A_26] : memref<10000x128xf32, #tpu.memory_space<hbm>> -> memref<10000x128xf32, #tpu.memory_space<hbm>>
      tpu.wait_indirect_dma semaphore(%arg11 : memref<!tpu.dma_semaphore, #tpu.memory_space<semaphore_mem>>) src(%dma_wait3A_27 : memref<10000x128xf32, #tpu.memory_space<hbm>>) dst(%arg9 : memref<128x128xf32, #tpu.memory_space<vmem>>)
      "tpu.region"() ({
        %run_scoped3A = tpu.sem_alloc : memref<!tpu.dma_semaphore, #tpu.memory_space<semaphore_mem>>
        %dma_start3A_28 = arith.constant 0 : i32
        %dma_start3A_29 = tpu.memref_slice %arg8[%while3A_17, %dma_start3A_28] : memref<97x128xi32, #tpu.memory_space<vmem>> -> memref<1x128xi32, #tpu.memory_space<vmem>>
        %dma_start3A_30 = tpu.memref_squeeze %dma_start3A_29 : memref<1x128xi32, #tpu.memory_space<vmem>> -> memref<128xi32, #tpu.memory_space<vmem>>
        %dma_start3A_31 = arith.constant 0 : i32
        %dma_start3A_32 = arith.constant 0 : i32
        %dma_start3A_33 = tpu.memref_slice %arg10[%dma_start3A_31, %dma_start3A_32] : memref<10112x128xf32, #tpu.memory_space<vmem_shared>> -> memref<10112x128xf32, #tpu.memory_space<vmem_shared>>
        tpu.enqueue_indirect_dma source(%arg9 : memref<128x128xf32, #tpu.memory_space<vmem>>) target(%dma_start3A_33 : memref<10112x128xf32, #tpu.memory_space<vmem_shared>>) offsets(%dma_start3A_30 : memref<128xi32, #tpu.memory_space<vmem>>) semaphore(%run_scoped3A : memref<!tpu.dma_semaphore, #tpu.memory_space<semaphore_mem>>) {add = true}
        %dma_wait3A_34 = arith.constant 0 : i32
        %dma_wait3A_35 = tpu.memref_slice %arg8[%while3A_17, %dma_wait3A_34] : memref<97x128xi32, #tpu.memory_space<vmem>> -> memref<1x128xi32, #tpu.memory_space<vmem>>
        %dma_wait3A_36 = tpu.memref_squeeze %dma_wait3A_35 : memref<1x128xi32, #tpu.memory_space<vmem>> -> memref<128xi32, #tpu.memory_space<vmem>>
        %dma_wait3A_37 = arith.constant 0 : i32
        %dma_wait3A_38 = arith.constant 0 : i32
        %dma_wait3A_39 = tpu.memref_slice %arg10[%dma_wait3A_37, %dma_wait3A_38] : memref<10112x128xf32, #tpu.memory_space<vmem_shared>> -> memref<10112x128xf32, #tpu.memory_space<vmem_shared>>
        tpu.wait_indirect_dma semaphore(%run_scoped3A : memref<!tpu.dma_semaphore, #tpu.memory_space<semaphore_mem>>) src(%arg9 : memref<128x128xf32, #tpu.memory_space<vmem>>) dst(%dma_wait3A_39 : memref<10112x128xf32, #tpu.memory_space<vmem_shared>>)
        tpu.yield
      }) : () -> ()
    }
    %barrier3A_12 = arith.constant 0 : index
    tpu.barrier barrier_id(%barrier3A_12)
    %mul3A_13 = arith.constant 632 : i32
    %mul3A_14 = arith.muli %arg1, %mul3A_13 : i32
    %mul3A_15 = arith.constant 632 : i32
    %mul3A_16 = arith.muli %arg1, %mul3A_15 : i32
    "tpu.region"() ({
      %run_scoped3A = tpu.sem_alloc : memref<!tpu.dma_semaphore, #tpu.memory_space<semaphore_mem>>
      %dma_start3A = arith.constant 0 : i32
      %dma_start3A_17 = arith.constant 0 : i32
      %dma_start3A_18 = tpu.memref_slice %arg6[%arg0, %dma_start3A, %dma_start3A_17] : memref<2x10112x128xf32, #tpu.memory_space<hbm>> -> memref<1x10112x128xf32, #tpu.memory_space<hbm>>
      %dma_start3A_19 = tpu.memref_squeeze %dma_start3A_18 : memref<1x10112x128xf32, #tpu.memory_space<hbm>> -> memref<10112x128xf32, #tpu.memory_space<hbm>>
      %dma_start3A_20 = arith.constant 0 : i32
      %dma_start3A_21 = tpu.memref_slice %dma_start3A_19[%mul3A_16, %dma_start3A_20] : memref<10112x128xf32, #tpu.memory_space<hbm>> -> memref<632x128xf32, #tpu.memory_space<hbm>>
      %dma_start3A_22 = arith.constant 0 : i32
      %dma_start3A_23 = tpu.memref_slice %arg10[%mul3A_14, %dma_start3A_22] : memref<10112x128xf32, #tpu.memory_space<vmem_shared>> -> memref<632x128xf32, #tpu.memory_space<vmem_shared>>
      tpu.enqueue_dma source(%dma_start3A_23 : memref<632x128xf32, #tpu.memory_space<vmem_shared>>) target(%dma_start3A_21 : memref<632x128xf32, #tpu.memory_space<hbm>>) target_semaphore(%run_scoped3A : memref<!tpu.dma_semaphore, #tpu.memory_space<semaphore_mem>>)
      %dma_wait3A = arith.constant 0 : i32
      %dma_wait3A_24 = arith.constant 0 : i32
      %dma_wait3A_25 = tpu.memref_slice %arg6[%arg0, %dma_wait3A, %dma_wait3A_24] : memref<2x10112x128xf32, #tpu.memory_space<hbm>> -> memref<1x10112x128xf32, #tpu.memory_space<hbm>>
      %dma_wait3A_26 = tpu.memref_squeeze %dma_wait3A_25 : memref<1x10112x128xf32, #tpu.memory_space<hbm>> -> memref<10112x128xf32, #tpu.memory_space<hbm>>
      %dma_wait3A_27 = arith.constant 0 : i32
      %dma_wait3A_28 = tpu.memref_slice %dma_wait3A_26[%mul3A_16, %dma_wait3A_27] : memref<10112x128xf32, #tpu.memory_space<hbm>> -> memref<632x128xf32, #tpu.memory_space<hbm>>
      %dma_wait3A_29 = arith.constant 0 : i32
      %dma_wait3A_30 = tpu.memref_slice %arg10[%mul3A_14, %dma_wait3A_29] : memref<10112x128xf32, #tpu.memory_space<vmem_shared>> -> memref<632x128xf32, #tpu.memory_space<vmem_shared>>
      tpu.wait_dma2 semaphore(%run_scoped3A : memref<!tpu.dma_semaphore, #tpu.memory_space<semaphore_mem>>) src(%dma_wait3A_30 : memref<632x128xf32, #tpu.memory_space<vmem_shared>>) dst(%dma_wait3A_28 : memref<632x128xf32, #tpu.memory_space<hbm>>)
      tpu.yield
    }) : () -> ()
    return
  }
}

#map = affine_map<(d0, d1) -> (0, 0)>
#map1 = affine_map<(d0, d1) -> (0, 0, 0, 0)>
#map2 = affine_map<(d0, d1) -> (0, 0, 0)>
module attributes {stable_mosaic.version = 14 : i64} {
  func.func @k(%arg0: i32, %arg1: i32, %arg2: memref<10000x128xf32, #tpu.memory_space<hbm>>, %arg3: memref<2x16x97x128xi32, #tpu.memory_space<hbm>>, %arg4: memref<2x16x97x128xi32, #tpu.memory_space<hbm>>, %arg5: memref<632x128xf32, #tpu.memory_space<hbm>>, %arg6: memref<2x10112x128xf32, #tpu.memory_space<hbm>>, %arg7: memref<97x128xi32, #tpu.memory_space<vmem>>, %arg8: memref<97x128xi32, #tpu.memory_space<vmem>>, %arg9: memref<128x128xf32, #tpu.memory_space<vmem>>, %arg10: memref<10112x128xf32, #tpu.memory_space<vmem_shared>>, %arg11: memref<!tpu.dma_semaphore, #tpu.memory_space<semaphore_mem>>) attributes {dimension_semantics = [#tpu.dimension_semantics<core_parallel>, #tpu.dimension_semantics<subcore_parallel>], iteration_bounds = array<i64: 2, 16>, scalar_prefetch = 0 : i64, scratch_operands = 5 : i64, tpu.core_type = #tpu.core_type<sc_vector_subcore>, window_params = [{transform_indices = #map}, {transform_indices = #map1}, {transform_indices = #map1}, {transform_indices = #map}, {transform_indices = #map2}]} {
    %mul3A = arith.constant 632 : i32
    %mul3A_0 = arith.muli %arg1, %mul3A : i32
    "tpu.region"() ({
      %run_scoped3A = tpu.sem_alloc : memref<!tpu.dma_semaphore, #tpu.memory_space<semaphore_mem>>
      %dma_start3A = arith.constant 0 : i32
      %dma_start3A_17 = tpu.memref_slice %arg10[%mul3A_0, %dma_start3A] : memref<10112x128xf32, #tpu.memory_space<vmem_shared>> -> memref<632x128xf32, #tpu.memory_space<vmem_shared>>
      tpu.enqueue_dma source(%arg5 : memref<632x128xf32, #tpu.memory_space<hbm>>) target(%dma_start3A_17 : memref<632x128xf32, #tpu.memory_space<vmem_shared>>) target_semaphore(%run_scoped3A : memref<!tpu.dma_semaphore, #tpu.memory_space<semaphore_mem>>)
      %dma_wait3A = arith.constant 0 : i32
      %dma_wait3A_18 = tpu.memref_slice %arg10[%mul3A_0, %dma_wait3A] : memref<10112x128xf32, #tpu.memory_space<vmem_shared>> -> memref<632x128xf32, #tpu.memory_space<vmem_shared>>
      tpu.wait_dma2 semaphore(%run_scoped3A : memref<!tpu.dma_semaphore, #tpu.memory_space<semaphore_mem>>) src(%arg5 : memref<632x128xf32, #tpu.memory_space<hbm>>) dst(%dma_wait3A_18 : memref<632x128xf32, #tpu.memory_space<vmem_shared>>)
      tpu.yield
    }) : () -> ()
    "tpu.region"() ({
      %run_scoped3A = tpu.sem_alloc : memref<!tpu.dma_semaphore, #tpu.memory_space<semaphore_mem>>
      %dma_start3A = arith.constant 0 : i32
      %dma_start3A_17 = arith.constant 0 : i32
      %dma_start3A_18 = arith.constant 0 : i32
      %dma_start3A_19 = tpu.memref_slice %arg3[%arg0, %dma_start3A, %dma_start3A_17, %dma_start3A_18] : memref<2x16x97x128xi32, #tpu.memory_space<hbm>> -> memref<1x16x97x128xi32, #tpu.memory_space<hbm>>
      %dma_start3A_20 = tpu.memref_squeeze %dma_start3A_19 : memref<1x16x97x128xi32, #tpu.memory_space<hbm>> -> memref<16x97x128xi32, #tpu.memory_space<hbm>>
      %dma_start3A_21 = arith.constant 0 : i32
      %dma_start3A_22 = arith.constant 0 : i32
      %dma_start3A_23 = tpu.memref_slice %dma_start3A_20[%arg1, %dma_start3A_21, %dma_start3A_22] : memref<16x97x128xi32, #tpu.memory_space<hbm>> -> memref<1x97x128xi32, #tpu.memory_space<hbm>>
      %dma_start3A_24 = tpu.memref_squeeze %dma_start3A_23 : memref<1x97x128xi32, #tpu.memory_space<hbm>> -> memref<97x128xi32, #tpu.memory_space<hbm>>
      %dma_start3A_25 = arith.constant 0 : i32
      %dma_start3A_26 = arith.constant 0 : i32
      %dma_start3A_27 = arith.constant 0 : i32
      %dma_start3A_28 = tpu.memref_slice %arg3[%arg0, %dma_start3A_25, %dma_start3A_26, %dma_start3A_27] : memref<2x16x97x128xi32, #tpu.memory_space<hbm>> -> memref<1x16x97x128xi32, #tpu.memory_space<hbm>>
      %dma_start3A_29 = tpu.memref_squeeze %dma_start3A_28 : memref<1x16x97x128xi32, #tpu.memory_space<hbm>> -> memref<16x97x128xi32, #tpu.memory_space<hbm>>
      %dma_start3A_30 = arith.constant 0 : i32
      %dma_start3A_31 = arith.constant 0 : i32
      %dma_start3A_32 = tpu.memref_slice %dma_start3A_29[%arg1, %dma_start3A_30, %dma_start3A_31] : memref<16x97x128xi32, #tpu.memory_space<hbm>> -> memref<1x97x128xi32, #tpu.memory_space<hbm>>
      %dma_start3A_33 = tpu.memref_squeeze %dma_start3A_32 : memref<1x97x128xi32, #tpu.memory_space<hbm>> -> memref<97x128xi32, #tpu.memory_space<hbm>>
      tpu.enqueue_dma source(%dma_start3A_33 : memref<97x128xi32, #tpu.memory_space<hbm>>) target(%arg7 : memref<97x128xi32, #tpu.memory_space<vmem>>) target_semaphore(%run_scoped3A : memref<!tpu.dma_semaphore, #tpu.memory_space<semaphore_mem>>)
      %dma_wait3A = arith.constant 0 : i32
      %dma_wait3A_34 = arith.constant 0 : i32
      %dma_wait3A_35 = arith.constant 0 : i32
      %dma_wait3A_36 = tpu.memref_slice %arg3[%arg0, %dma_wait3A, %dma_wait3A_34, %dma_wait3A_35] : memref<2x16x97x128xi32, #tpu.memory_space<hbm>> -> memref<1x16x97x128xi32, #tpu.memory_space<hbm>>
      %dma_wait3A_37 = tpu.memref_squeeze %dma_wait3A_36 : memref<1x16x97x128xi32, #tpu.memory_space<hbm>> -> memref<16x97x128xi32, #tpu.memory_space<hbm>>
      %dma_wait3A_38 = arith.constant 0 : i32
      %dma_wait3A_39 = arith.constant 0 : i32
      %dma_wait3A_40 = tpu.memref_slice %dma_wait3A_37[%arg1, %dma_wait3A_38, %dma_wait3A_39] : memref<16x97x128xi32, #tpu.memory_space<hbm>> -> memref<1x97x128xi32, #tpu.memory_space<hbm>>
      %dma_wait3A_41 = tpu.memref_squeeze %dma_wait3A_40 : memref<1x97x128xi32, #tpu.memory_space<hbm>> -> memref<97x128xi32, #tpu.memory_space<hbm>>
      %dma_wait3A_42 = arith.constant 0 : i32
      %dma_wait3A_43 = arith.constant 0 : i32
      %dma_wait3A_44 = arith.constant 0 : i32
      %dma_wait3A_45 = tpu.memref_slice %arg3[%arg0, %dma_wait3A_42, %dma_wait3A_43, %dma_wait3A_44] : memref<2x16x97x128xi32, #tpu.memory_space<hbm>> -> memref<1x16x97x128xi32, #tpu.memory_space<hbm>>
      %dma_wait3A_46 = tpu.memref_squeeze %dma_wait3A_45 : memref<1x16x97x128xi32, #tpu.memory_space<hbm>> -> memref<16x97x128xi32, #tpu.memory_space<hbm>>
      %dma_wait3A_47 = arith.constant 0 : i32
      %dma_wait3A_48 = arith.constant 0 : i32
      %dma_wait3A_49 = tpu.memref_slice %dma_wait3A_46[%arg1, %dma_wait3A_47, %dma_wait3A_48] : memref<16x97x128xi32, #tpu.memory_space<hbm>> -> memref<1x97x128xi32, #tpu.memory_space<hbm>>
      %dma_wait3A_50 = tpu.memref_squeeze %dma_wait3A_49 : memref<1x97x128xi32, #tpu.memory_space<hbm>> -> memref<97x128xi32, #tpu.memory_space<hbm>>
      tpu.wait_dma2 semaphore(%run_scoped3A : memref<!tpu.dma_semaphore, #tpu.memory_space<semaphore_mem>>) src(%dma_wait3A_50 : memref<97x128xi32, #tpu.memory_space<hbm>>) dst(%arg7 : memref<97x128xi32, #tpu.memory_space<vmem>>)
      tpu.yield
    }) : () -> ()
    "tpu.region"() ({
      %run_scoped3A = tpu.sem_alloc : memref<!tpu.dma_semaphore, #tpu.memory_space<semaphore_mem>>
      %dma_start3A = arith.constant 0 : i32
      %dma_start3A_17 = arith.constant 0 : i32
      %dma_start3A_18 = arith.constant 0 : i32
      %dma_start3A_19 = tpu.memref_slice %arg4[%arg0, %dma_start3A, %dma_start3A_17, %dma_start3A_18] : memref<2x16x97x128xi32, #tpu.memory_space<hbm>> -> memref<1x16x97x128xi32, #tpu.memory_space<hbm>>
      %dma_start3A_20 = tpu.memref_squeeze %dma_start3A_19 : memref<1x16x97x128xi32, #tpu.memory_space<hbm>> -> memref<16x97x128xi32, #tpu.memory_space<hbm>>
      %dma_start3A_21 = arith.constant 0 : i32
      %dma_start3A_22 = arith.constant 0 : i32
      %dma_start3A_23 = tpu.memref_slice %dma_start3A_20[%arg1, %dma_start3A_21, %dma_start3A_22] : memref<16x97x128xi32, #tpu.memory_space<hbm>> -> memref<1x97x128xi32, #tpu.memory_space<hbm>>
      %dma_start3A_24 = tpu.memref_squeeze %dma_start3A_23 : memref<1x97x128xi32, #tpu.memory_space<hbm>> -> memref<97x128xi32, #tpu.memory_space<hbm>>
      %dma_start3A_25 = arith.constant 0 : i32
      %dma_start3A_26 = arith.constant 0 : i32
      %dma_start3A_27 = arith.constant 0 : i32
      %dma_start3A_28 = tpu.memref_slice %arg4[%arg0, %dma_start3A_25, %dma_start3A_26, %dma_start3A_27] : memref<2x16x97x128xi32, #tpu.memory_space<hbm>> -> memref<1x16x97x128xi32, #tpu.memory_space<hbm>>
      %dma_start3A_29 = tpu.memref_squeeze %dma_start3A_28 : memref<1x16x97x128xi32, #tpu.memory_space<hbm>> -> memref<16x97x128xi32, #tpu.memory_space<hbm>>
      %dma_start3A_30 = arith.constant 0 : i32
      %dma_start3A_31 = arith.constant 0 : i32
      %dma_start3A_32 = tpu.memref_slice %dma_start3A_29[%arg1, %dma_start3A_30, %dma_start3A_31] : memref<16x97x128xi32, #tpu.memory_space<hbm>> -> memref<1x97x128xi32, #tpu.memory_space<hbm>>
      %dma_start3A_33 = tpu.memref_squeeze %dma_start3A_32 : memref<1x97x128xi32, #tpu.memory_space<hbm>> -> memref<97x128xi32, #tpu.memory_space<hbm>>
      tpu.enqueue_dma source(%dma_start3A_33 : memref<97x128xi32, #tpu.memory_space<hbm>>) target(%arg8 : memref<97x128xi32, #tpu.memory_space<vmem>>) target_semaphore(%run_scoped3A : memref<!tpu.dma_semaphore, #tpu.memory_space<semaphore_mem>>)
      %dma_wait3A = arith.constant 0 : i32
      %dma_wait3A_34 = arith.constant 0 : i32
      %dma_wait3A_35 = arith.constant 0 : i32
      %dma_wait3A_36 = tpu.memref_slice %arg4[%arg0, %dma_wait3A, %dma_wait3A_34, %dma_wait3A_35] : memref<2x16x97x128xi32, #tpu.memory_space<hbm>> -> memref<1x16x97x128xi32, #tpu.memory_space<hbm>>
      %dma_wait3A_37 = tpu.memref_squeeze %dma_wait3A_36 : memref<1x16x97x128xi32, #tpu.memory_space<hbm>> -> memref<16x97x128xi32, #tpu.memory_space<hbm>>
      %dma_wait3A_38 = arith.constant 0 : i32
      %dma_wait3A_39 = arith.constant 0 : i32
      %dma_wait3A_40 = tpu.memref_slice %dma_wait3A_37[%arg1, %dma_wait3A_38, %dma_wait3A_39] : memref<16x97x128xi32, #tpu.memory_space<hbm>> -> memref<1x97x128xi32, #tpu.memory_space<hbm>>
      %dma_wait3A_41 = tpu.memref_squeeze %dma_wait3A_40 : memref<1x97x128xi32, #tpu.memory_space<hbm>> -> memref<97x128xi32, #tpu.memory_space<hbm>>
      %dma_wait3A_42 = arith.constant 0 : i32
      %dma_wait3A_43 = arith.constant 0 : i32
      %dma_wait3A_44 = arith.constant 0 : i32
      %dma_wait3A_45 = tpu.memref_slice %arg4[%arg0, %dma_wait3A_42, %dma_wait3A_43, %dma_wait3A_44] : memref<2x16x97x128xi32, #tpu.memory_space<hbm>> -> memref<1x16x97x128xi32, #tpu.memory_space<hbm>>
      %dma_wait3A_46 = tpu.memref_squeeze %dma_wait3A_45 : memref<1x16x97x128xi32, #tpu.memory_space<hbm>> -> memref<16x97x128xi32, #tpu.memory_space<hbm>>
      %dma_wait3A_47 = arith.constant 0 : i32
      %dma_wait3A_48 = arith.constant 0 : i32
      %dma_wait3A_49 = tpu.memref_slice %dma_wait3A_46[%arg1, %dma_wait3A_47, %dma_wait3A_48] : memref<16x97x128xi32, #tpu.memory_space<hbm>> -> memref<1x97x128xi32, #tpu.memory_space<hbm>>
      %dma_wait3A_50 = tpu.memref_squeeze %dma_wait3A_49 : memref<1x97x128xi32, #tpu.memory_space<hbm>> -> memref<97x128xi32, #tpu.memory_space<hbm>>
      tpu.wait_dma2 semaphore(%run_scoped3A : memref<!tpu.dma_semaphore, #tpu.memory_space<semaphore_mem>>) src(%dma_wait3A_50 : memref<97x128xi32, #tpu.memory_space<hbm>>) dst(%arg8 : memref<97x128xi32, #tpu.memory_space<vmem>>)
      tpu.yield
    }) : () -> ()
    %barrier3A = arith.constant 0 : index
    tpu.barrier barrier_id(%barrier3A)
    %eq3A = arith.constant 0 : i32
    %eq3A_1 = arith.cmpi eq, %arg0, %eq3A : i32
    %jit3A = arith.constant 60 : i32
    %jit3A_2 = arith.constant 97 : i32
    %select_n3A = arith.select %eq3A_1, %jit3A, %jit3A_2 : i32
    %while3A = arith.constant 0 : i32
    %while3A_3 = arith.constant 0 : i32
    %while3A_4 = arith.subi %select_n3A, %while3A_3 : i32
    %while3A_5 = arith.addi %while3A_3, %while3A_4 : i32
    %while3A_6 = arith.constant 1 : i32
    %while3A_7 = arith.divsi %while3A_4, %while3A_6 : i32
    %while3A_8 = arith.muli %while3A_7, %while3A_6 : i32
    %while3A_9 = arith.addi %while3A_3, %while3A_8 : i32
    %while3A_10 = arith.constant 1 : i32
    scf.for %while3A_17 = %while3A_3 to %while3A_9 step %while3A_10  : i32 {
      %dma_start3A = arith.constant 0 : i32
      %dma_start3A_18 = tpu.memref_slice %arg7[%while3A_17, %dma_start3A] : memref<97x128xi32, #tpu.memory_space<vmem>> -> memref<1x128xi32, #tpu.memory_space<vmem>>
      %dma_start3A_19 = tpu.memref_squeeze %dma_start3A_18 : memref<1x128xi32, #tpu.memory_space<vmem>> -> memref<128xi32, #tpu.memory_space<vmem>>
      %dma_start3A_20 = arith.constant 0 : i32
      %dma_start3A_21 = arith.constant 0 : i32
      %dma_start3A_22 = tpu.memref_slice %arg2[%dma_start3A_20, %dma_start3A_21] : memref<10000x128xf32, #tpu.memory_space<hbm>> -> memref<10000x128xf32, #tpu.memory_space<hbm>>
      tpu.enqueue_indirect_dma source(%dma_start3A_22 : memref<10000x128xf32, #tpu.memory_space<hbm>>) target(%arg9 : memref<128x128xf32, #tpu.memory_space<vmem>>) offsets(%dma_start3A_19 : memref<128xi32, #tpu.memory_space<vmem>>) semaphore(%arg11 : memref<!tpu.dma_semaphore, #tpu.memory_space<semaphore_mem>>)
      %dma_wait3A = arith.constant 0 : i32
      %dma_wait3A_23 = tpu.memref_slice %arg7[%while3A_17, %dma_wait3A] : memref<97x128xi32, #tpu.memory_space<vmem>> -> memref<1x128xi32, #tpu.memory_space<vmem>>
      %dma_wait3A_24 = tpu.memref_squeeze %dma_wait3A_23 : memref<1x128xi32, #tpu.memory_space<vmem>> -> memref<128xi32, #tpu.memory_space<vmem>>
      %dma_wait3A_25 = arith.constant 0 : i32
      %dma_wait3A_26 = arith.constant 0 : i32
      %dma_wait3A_27 = tpu.memref_slice %arg2[%dma_wait3A_25, %dma_wait3A_26] : memref<10000x128xf32, #tpu.memory_space<hbm>> -> memref<10000x128xf32, #tpu.memory_space<hbm>>
      tpu.wait_indirect_dma semaphore(%arg11 : memref<!tpu.dma_semaphore, #tpu.memory_space<semaphore_mem>>) src(%dma_wait3A_27 : memref<10000x128xf32, #tpu.memory_space<hbm>>) dst(%arg9 : memref<128x128xf32, #tpu.memory_space<vmem>>)
      "tpu.region"() ({
        %run_scoped3A = tpu.sem_alloc : memref<!tpu.dma_semaphore, #tpu.memory_space<semaphore_mem>>
        %dma_start3A_28 = arith.constant 0 : i32
        %dma_start3A_29 = tpu.memref_slice %arg8[%while3A_17, %dma_start3A_28] : memref<97x128xi32, #tpu.memory_space<vmem>> -> memref<1x128xi32, #tpu.memory_space<vmem>>
        %dma_start3A_30 = tpu.memref_squeeze %dma_start3A_29 : memref<1x128xi32, #tpu.memory_space<vmem>> -> memref<128xi32, #tpu.memory_space<vmem>>
        %dma_start3A_31 = arith.constant 0 : i32
        %dma_start3A_32 = arith.constant 0 : i32
        %dma_start3A_33 = tpu.memref_slice %arg10[%dma_start3A_31, %dma_start3A_32] : memref<10112x128xf32, #tpu.memory_space<vmem_shared>> -> memref<10112x128xf32, #tpu.memory_space<vmem_shared>>
        tpu.enqueue_indirect_dma source(%arg9 : memref<128x128xf32, #tpu.memory_space<vmem>>) target(%dma_start3A_33 : memref<10112x128xf32, #tpu.memory_space<vmem_shared>>) offsets(%dma_start3A_30 : memref<128xi32, #tpu.memory_space<vmem>>) semaphore(%run_scoped3A : memref<!tpu.dma_semaphore, #tpu.memory_space<semaphore_mem>>) {add = true}
        %dma_wait3A_34 = arith.constant 0 : i32
        %dma_wait3A_35 = tpu.memref_slice %arg8[%while3A_17, %dma_wait3A_34] : memref<97x128xi32, #tpu.memory_space<vmem>> -> memref<1x128xi32, #tpu.memory_space<vmem>>
        %dma_wait3A_36 = tpu.memref_squeeze %dma_wait3A_35 : memref<1x128xi32, #tpu.memory_space<vmem>> -> memref<128xi32, #tpu.memory_space<vmem>>
        %dma_wait3A_37 = arith.constant 0 : i32
        %dma_wait3A_38 = arith.constant 0 : i32
        %dma_wait3A_39 = tpu.memref_slice %arg10[%dma_wait3A_37, %dma_wait3A_38] : memref<10112x128xf32, #tpu.memory_space<vmem_shared>> -> memref<10112x128xf32, #tpu.memory_space<vmem_shared>>
        tpu.wait_indirect_dma semaphore(%run_scoped3A : memref<!tpu.dma_semaphore, #tpu.memory_space<semaphore_mem>>) src(%arg9 : memref<128x128xf32, #tpu.memory_space<vmem>>) dst(%dma_wait3A_39 : memref<10112x128xf32, #tpu.memory_space<vmem_shared>>)
        tpu.yield
      }) : () -> ()
    }
    %while3A_11 = arith.constant 1 : i32
    scf.for %while3A_17 = %while3A_9 to %while3A_5 step %while3A_11  : i32 {
      %dma_start3A = arith.constant 0 : i32
      %dma_start3A_18 = tpu.memref_slice %arg7[%while3A_17, %dma_start3A] : memref<97x128xi32, #tpu.memory_space<vmem>> -> memref<1x128xi32, #tpu.memory_space<vmem>>
      %dma_start3A_19 = tpu.memref_squeeze %dma_start3A_18 : memref<1x128xi32, #tpu.memory_space<vmem>> -> memref<128xi32, #tpu.memory_space<vmem>>
      %dma_start3A_20 = arith.constant 0 : i32
      %dma_start3A_21 = arith.constant 0 : i32
      %dma_start3A_22 = tpu.memref_slice %arg2[%dma_start3A_20, %dma_start3A_21] : memref<10000x128xf32, #tpu.memory_space<hbm>> -> memref<10000x128xf32, #tpu.memory_space<hbm>>
      tpu.enqueue_indirect_dma source(%dma_start3A_22 : memref<10000x128xf32, #tpu.memory_space<hbm>>) target(%arg9 : memref<128x128xf32, #tpu.memory_space<vmem>>) offsets(%dma_start3A_19 : memref<128xi32, #tpu.memory_space<vmem>>) semaphore(%arg11 : memref<!tpu.dma_semaphore, #tpu.memory_space<semaphore_mem>>)
      %dma_wait3A = arith.constant 0 : i32
      %dma_wait3A_23 = tpu.memref_slice %arg7[%while3A_17, %dma_wait3A] : memref<97x128xi32, #tpu.memory_space<vmem>> -> memref<1x128xi32, #tpu.memory_space<vmem>>
      %dma_wait3A_24 = tpu.memref_squeeze %dma_wait3A_23 : memref<1x128xi32, #tpu.memory_space<vmem>> -> memref<128xi32, #tpu.memory_space<vmem>>
      %dma_wait3A_25 = arith.constant 0 : i32
      %dma_wait3A_26 = arith.constant 0 : i32
      %dma_wait3A_27 = tpu.memref_slice %arg2[%dma_wait3A_25, %dma_wait3A_26] : memref<10000x128xf32, #tpu.memory_space<hbm>> -> memref<10000x128xf32, #tpu.memory_space<hbm>>
      tpu.wait_indirect_dma semaphore(%arg11 : memref<!tpu.dma_semaphore, #tpu.memory_space<semaphore_mem>>) src(%dma_wait3A_27 : memref<10000x128xf32, #tpu.memory_space<hbm>>) dst(%arg9 : memref<128x128xf32, #tpu.memory_space<vmem>>)
      "tpu.region"() ({
        %run_scoped3A = tpu.sem_alloc : memref<!tpu.dma_semaphore, #tpu.memory_space<semaphore_mem>>
        %dma_start3A_28 = arith.constant 0 : i32
        %dma_start3A_29 = tpu.memref_slice %arg8[%while3A_17, %dma_start3A_28] : memref<97x128xi32, #tpu.memory_space<vmem>> -> memref<1x128xi32, #tpu.memory_space<vmem>>
        %dma_start3A_30 = tpu.memref_squeeze %dma_start3A_29 : memref<1x128xi32, #tpu.memory_space<vmem>> -> memref<128xi32, #tpu.memory_space<vmem>>
        %dma_start3A_31 = arith.constant 0 : i32
        %dma_start3A_32 = arith.constant 0 : i32
        %dma_start3A_33 = tpu.memref_slice %arg10[%dma_start3A_31, %dma_start3A_32] : memref<10112x128xf32, #tpu.memory_space<vmem_shared>> -> memref<10112x128xf32, #tpu.memory_space<vmem_shared>>
        tpu.enqueue_indirect_dma source(%arg9 : memref<128x128xf32, #tpu.memory_space<vmem>>) target(%dma_start3A_33 : memref<10112x128xf32, #tpu.memory_space<vmem_shared>>) offsets(%dma_start3A_30 : memref<128xi32, #tpu.memory_space<vmem>>) semaphore(%run_scoped3A : memref<!tpu.dma_semaphore, #tpu.memory_space<semaphore_mem>>) {add = true}
        %dma_wait3A_34 = arith.constant 0 : i32
        %dma_wait3A_35 = tpu.memref_slice %arg8[%while3A_17, %dma_wait3A_34] : memref<97x128xi32, #tpu.memory_space<vmem>> -> memref<1x128xi32, #tpu.memory_space<vmem>>
        %dma_wait3A_36 = tpu.memref_squeeze %dma_wait3A_35 : memref<1x128xi32, #tpu.memory_space<vmem>> -> memref<128xi32, #tpu.memory_space<vmem>>
        %dma_wait3A_37 = arith.constant 0 : i32
        %dma_wait3A_38 = arith.constant 0 : i32
        %dma_wait3A_39 = tpu.memref_slice %arg10[%dma_wait3A_37, %dma_wait3A_38] : memref<10112x128xf32, #tpu.memory_space<vmem_shared>> -> memref<10112x128xf32, #tpu.memory_space<vmem_shared>>
        tpu.wait_indirect_dma semaphore(%run_scoped3A : memref<!tpu.dma_semaphore, #tpu.memory_space<semaphore_mem>>) src(%arg9 : memref<128x128xf32, #tpu.memory_space<vmem>>) dst(%dma_wait3A_39 : memref<10112x128xf32, #tpu.memory_space<vmem_shared>>)
        tpu.yield
      }) : () -> ()
    }
    %barrier3A_12 = arith.constant 0 : index
    tpu.barrier barrier_id(%barrier3A_12)
    %mul3A_13 = arith.constant 632 : i32
    %mul3A_14 = arith.muli %arg1, %mul3A_13 : i32
    %mul3A_15 = arith.constant 632 : i32
    %mul3A_16 = arith.muli %arg1, %mul3A_15 : i32
    "tpu.region"() ({
      %run_scoped3A = tpu.sem_alloc : memref<!tpu.dma_semaphore, #tpu.memory_space<semaphore_mem>>
      %dma_start3A = arith.constant 0 : i32
      %dma_start3A_17 = arith.constant 0 : i32
      %dma_start3A_18 = tpu.memref_slice %arg6[%arg0, %dma_start3A, %dma_start3A_17] : memref<2x10112x128xf32, #tpu.memory_space<hbm>> -> memref<1x10112x128xf32, #tpu.memory_space<hbm>>
      %dma_start3A_19 = tpu.memref_squeeze %dma_start3A_18 : memref<1x10112x128xf32, #tpu.memory_space<hbm>> -> memref<10112x128xf32, #tpu.memory_space<hbm>>
      %dma_start3A_20 = arith.constant 0 : i32
      %dma_start3A_21 = tpu.memref_slice %dma_start3A_19[%mul3A_16, %dma_start3A_20] : memref<10112x128xf32, #tpu.memory_space<hbm>> -> memref<632x128xf32, #tpu.memory_space<hbm>>
      %dma_start3A_22 = arith.constant 0 : i32
      %dma_start3A_23 = tpu.memref_slice %arg10[%mul3A_14, %dma_start3A_22] : memref<10112x128xf32, #tpu.memory_space<vmem_shared>> -> memref<632x128xf32, #tpu.memory_space<vmem_shared>>
      tpu.enqueue_dma source(%dma_start3A_23 : memref<632x128xf32, #tpu.memory_space<vmem_shared>>) target(%dma_start3A_21 : memref<632x128xf32, #tpu.memory_space<hbm>>) target_semaphore(%run_scoped3A : memref<!tpu.dma_semaphore, #tpu.memory_space<semaphore_mem>>)
      %dma_wait3A = arith.constant 0 : i32
      %dma_wait3A_24 = arith.constant 0 : i32
      %dma_wait3A_25 = tpu.memref_slice %arg6[%arg0, %dma_wait3A, %dma_wait3A_24] : memref<2x10112x128xf32, #tpu.memory_space<hbm>> -> memref<1x10112x128xf32, #tpu.memory_space<hbm>>
      %dma_wait3A_26 = tpu.memref_squeeze %dma_wait3A_25 : memref<1x10112x128xf32, #tpu.memory_space<hbm>> -> memref<10112x128xf32, #tpu.memory_space<hbm>>
      %dma_wait3A_27 = arith.constant 0 : i32
      %dma_wait3A_28 = tpu.memref_slice %dma_wait3A_26[%mul3A_16, %dma_wait3A_27] : memref<10112x128xf32, #tpu.memory_space<hbm>> -> memref<632x128xf32, #tpu.memory_space<hbm>>
      %dma_wait3A_29 = arith.constant 0 : i32
      %dma_wait3A_30 = tpu.memref_slice %arg10[%mul3A_14, %dma_wait3A_29] : memref<10112x128xf32, #tpu.memory_space<vmem_shared>> -> memref<632x128xf32, #tpu.memory_space<vmem_shared>>
      tpu.wait_dma2 semaphore(%run_scoped3A : memref<!tpu.dma_semaphore, #tpu.memory_space<semaphore_mem>>) src(%dma_wait3A_30 : memref<632x128xf32, #tpu.memory_space<vmem_shared>>) dst(%dma_wait3A_28 : memref<632x128xf32, #tpu.memory_space<hbm>>)
      tpu.yield
    }) : () -> ()
    return
  }
}

module attributes {stable_mosaic.version = 14 : i64} {
  func.func @body(%arg0: i32, %arg1: memref<2000x128xf32, #tpu.memory_space<vmem>>, %arg2: memref<128x128xf32, #tpu.memory_space<vmem>>, %arg3: memref<1x128xf32, #tpu.memory_space<vmem>>, %arg4: memref<128x128xf32, #tpu.memory_space<vmem>>, %arg5: memref<1x128xf32, #tpu.memory_space<vmem>>, %arg6: memref<2000x128xf32, #tpu.memory_space<vmem>>) attributes {dimension_semantics = [#tpu.dimension_semantics<arbitrary>], iteration_bounds = array<i64: 5>, scalar_prefetch = 0 : i64, scratch_operands = 0 : i64, tpu.core_type = #tpu.core_type<tc>, window_params = [{transform_indices = @transform_0, window_bounds = array<i64: 2000, 128>}, {pipeline_mode = #tpu.pipeline_mode<synchronous>, transform_indices = @transform_1, window_bounds = array<i64: 128, 128>}, {pipeline_mode = #tpu.pipeline_mode<synchronous>, transform_indices = @transform_2, window_bounds = array<i64: 1, 128>}, {pipeline_mode = #tpu.pipeline_mode<synchronous>, transform_indices = @transform_3, window_bounds = array<i64: 128, 128>}, {pipeline_mode = #tpu.pipeline_mode<synchronous>, transform_indices = @transform_4, window_bounds = array<i64: 1, 128>}, {transform_indices = @transform_5, window_bounds = array<i64: 2000, 128>}]} {
    %get3A = arith.constant 0 : index
    %get3A_0 = arith.constant 0 : index
    %get3A_1 = vector.load %arg1[%get3A, %get3A_0] : memref<2000x128xf32, #tpu.memory_space<vmem>>, vector<2000x128xf32>
    %get3A_2 = arith.constant 0 : index
    %get3A_3 = arith.constant 0 : index
    %get3A_4 = vector.load %arg2[%get3A_2, %get3A_3] : memref<128x128xf32, #tpu.memory_space<vmem>>, vector<128x128xf32>
    %dot_general3A = arith.constant dense<0.000000e+00> : vector<2000x128xf32>
    %dot_general3A_5 = tpu.matmul %get3A_1, %get3A_4, %dot_general3A {dimension_numbers = #tpu.dot_dimension_numbers<[1], [1], [0], [0], [0, 0, 1, 0], [], []>, transpose_lhs_hint = false} : vector<2000x128xf32>, vector<128x128xf32>, vector<2000x128xf32> -> vector<2000x128xf32>
    %get3A_6 = arith.constant 0 : index
    %get3A_7 = arith.constant 0 : index
    %get3A_8 = vector.load %arg3[%get3A_6, %get3A_7] : memref<1x128xf32, #tpu.memory_space<vmem>>, vector<1x128xf32>
    %add3A = vector.broadcast %get3A_8 : vector<1x128xf32> to vector<2000x128xf32>
    %add3A_9 = arith.addf %dot_general3A_5, %add3A : vector<2000x128xf32>
    %ge3A = arith.constant 0.000000e+00 : f32
    %ge3A_10 = vector.broadcast %ge3A : f32 to vector<2000x128xf32>
    %ge3A_11 = arith.cmpf oge, %add3A_9, %ge3A_10 : vector<2000x128xf32>
    %mul3A = arith.constant 0.00999999977 : f32
    %mul3A_12 = vector.broadcast %mul3A : f32 to vector<2000x128xf32>
    %mul3A_13 = arith.mulf %mul3A_12, %add3A_9 : vector<2000x128xf32>
    %select_n3A = arith.select %ge3A_11, %add3A_9, %mul3A_13 : vector<2000x128xi1>, vector<2000x128xf32>
    %get3A_14 = arith.constant 0 : index
    %get3A_15 = arith.constant 0 : index
    %get3A_16 = vector.load %arg4[%get3A_14, %get3A_15] : memref<128x128xf32, #tpu.memory_space<vmem>>, vector<128x128xf32>
    %dot_general3A_17 = arith.constant dense<0.000000e+00> : vector<2000x128xf32>
    %dot_general3A_18 = tpu.matmul %select_n3A, %get3A_16, %dot_general3A_17 {dimension_numbers = #tpu.dot_dimension_numbers<[1], [1], [0], [0], [0, 0, 1, 0], [], []>, transpose_lhs_hint = false} : vector<2000x128xf32>, vector<128x128xf32>, vector<2000x128xf32> -> vector<2000x128xf32>
    %get3A_19 = arith.constant 0 : index
    %get3A_20 = arith.constant 0 : index
    %get3A_21 = vector.load %arg5[%get3A_19, %get3A_20] : memref<1x128xf32, #tpu.memory_space<vmem>>, vector<1x128xf32>
    %add3A_22 = vector.broadcast %get3A_21 : vector<1x128xf32> to vector<2000x128xf32>
    %add3A_23 = arith.addf %dot_general3A_18, %add3A_22 : vector<2000x128xf32>
    %ge3A_24 = arith.constant 0.000000e+00 : f32
    %ge3A_25 = vector.broadcast %ge3A_24 : f32 to vector<2000x128xf32>
    %ge3A_26 = arith.cmpf oge, %add3A_23, %ge3A_25 : vector<2000x128xf32>
    %mul3A_27 = arith.constant 0.00999999977 : f32
    %mul3A_28 = vector.broadcast %mul3A_27 : f32 to vector<2000x128xf32>
    %mul3A_29 = arith.mulf %mul3A_28, %add3A_23 : vector<2000x128xf32>
    %select_n3A_30 = arith.select %ge3A_26, %add3A_23, %mul3A_29 : vector<2000x128xi1>, vector<2000x128xf32>
    %swap3A = arith.constant 0 : index
    %swap3A_31 = arith.constant 0 : index
    %swap3A_32 = vector.load %arg6[%swap3A, %swap3A_31] : memref<2000x128xf32, #tpu.memory_space<vmem>>, vector<2000x128xf32>
    tpu.vector_store %arg6[%swap3A, %swap3A_31], %select_n3A_30 {strides = array<i32>} : memref<2000x128xf32, #tpu.memory_space<vmem>>, vector<2000x128xf32>,
    return
  }
  func.func @transform_0(%arg0: i32) -> (i32, i32) {
    %c0_i32 = arith.constant 0 : i32
    %c0_i32_0 = arith.constant 0 : i32
    return %arg0, %c0_i32 : i32, i32
  }
  func.func @transform_1(%arg0: i32) -> (i32, i32) {
    %c0_i32 = arith.constant 0 : i32
    %c0_i32_0 = arith.constant 0 : i32
    %c0_i32_1 = arith.constant 0 : i32
    return %c0_i32, %c0_i32_0 : i32, i32
  }
  func.func @transform_2(%arg0: i32) -> (i32, i32) {
    %c0_i32 = arith.constant 0 : i32
    %c0_i32_0 = arith.constant 0 : i32
    %c0_i32_1 = arith.constant 0 : i32
    return %c0_i32, %c0_i32_0 : i32, i32
  }
  func.func @transform_3(%arg0: i32) -> (i32, i32) {
    %c0_i32 = arith.constant 0 : i32
    %c0_i32_0 = arith.constant 0 : i32
    %c0_i32_1 = arith.constant 0 : i32
    return %c0_i32, %c0_i32_0 : i32, i32
  }
  func.func @transform_4(%arg0: i32) -> (i32, i32) {
    %c0_i32 = arith.constant 0 : i32
    %c0_i32_0 = arith.constant 0 : i32
    %c0_i32_1 = arith.constant 0 : i32
    return %c0_i32, %c0_i32_0 : i32, i32
  }
  func.func @transform_5(%arg0: i32) -> (i32, i32) {
    %c0_i32 = arith.constant 0 : i32
    %c0_i32_0 = arith.constant 0 : i32
    return %arg0, %c0_i32 : i32, i32
  }
}

module attributes {stable_mosaic.version = 14 : i64} {
  func.func @body(%arg0: i32, %arg1: memref<2000x128xf32, #tpu.memory_space<vmem>>, %arg2: memref<128x128xf32, #tpu.memory_space<vmem>>, %arg3: memref<1x128xf32, #tpu.memory_space<vmem>>, %arg4: memref<2000x128xf32, #tpu.memory_space<vmem>>) attributes {dimension_semantics = [#tpu.dimension_semantics<arbitrary>], iteration_bounds = array<i64: 5>, scalar_prefetch = 0 : i64, scratch_operands = 0 : i64, tpu.core_type = #tpu.core_type<tc>, window_params = [{transform_indices = @transform_0, window_bounds = array<i64: 2000, 128>}, {pipeline_mode = #tpu.pipeline_mode<synchronous>, transform_indices = @transform_1, window_bounds = array<i64: 128, 128>}, {pipeline_mode = #tpu.pipeline_mode<synchronous>, transform_indices = @transform_2, window_bounds = array<i64: 1, 128>}, {transform_indices = @transform_3, window_bounds = array<i64: 2000, 128>}]} {
    %get3A = arith.constant 0 : index
    %get3A_0 = arith.constant 0 : index
    %get3A_1 = vector.load %arg1[%get3A, %get3A_0] : memref<2000x128xf32, #tpu.memory_space<vmem>>, vector<2000x128xf32>
    %get3A_2 = arith.constant 0 : index
    %get3A_3 = arith.constant 0 : index
    %get3A_4 = vector.load %arg2[%get3A_2, %get3A_3] : memref<128x128xf32, #tpu.memory_space<vmem>>, vector<128x128xf32>
    %dot_general3A = arith.constant dense<0.000000e+00> : vector<2000x128xf32>
    %dot_general3A_5 = tpu.matmul %get3A_1, %get3A_4, %dot_general3A {dimension_numbers = #tpu.dot_dimension_numbers<[1], [1], [0], [0], [0, 0, 1, 0], [], []>, transpose_lhs_hint = false} : vector<2000x128xf32>, vector<128x128xf32>, vector<2000x128xf32> -> vector<2000x128xf32>
    %get3A_6 = arith.constant 0 : index
    %get3A_7 = arith.constant 0 : index
    %get3A_8 = vector.load %arg3[%get3A_6, %get3A_7] : memref<1x128xf32, #tpu.memory_space<vmem>>, vector<1x128xf32>
    %add3A = vector.broadcast %get3A_8 : vector<1x128xf32> to vector<2000x128xf32>
    %add3A_9 = arith.addf %dot_general3A_5, %add3A : vector<2000x128xf32>
    %swap3A = arith.constant 0 : index
    %swap3A_10 = arith.constant 0 : index
    %swap3A_11 = vector.load %arg4[%swap3A, %swap3A_10] : memref<2000x128xf32, #tpu.memory_space<vmem>>, vector<2000x128xf32>
    tpu.vector_store %arg4[%swap3A, %swap3A_10], %add3A_9 {strides = array<i32>} : memref<2000x128xf32, #tpu.memory_space<vmem>>, vector<2000x128xf32>,
    return
  }
  func.func @transform_0(%arg0: i32) -> (i32, i32) {
    %c0_i32 = arith.constant 0 : i32
    %c0_i32_0 = arith.constant 0 : i32
    return %arg0, %c0_i32 : i32, i32
  }
  func.func @transform_1(%arg0: i32) -> (i32, i32) {
    %c0_i32 = arith.constant 0 : i32
    %c0_i32_0 = arith.constant 0 : i32
    %c0_i32_1 = arith.constant 0 : i32
    return %c0_i32, %c0_i32_0 : i32, i32
  }
  func.func @transform_2(%arg0: i32) -> (i32, i32) {
    %c0_i32 = arith.constant 0 : i32
    %c0_i32_0 = arith.constant 0 : i32
    %c0_i32_1 = arith.constant 0 : i32
    return %c0_i32, %c0_i32_0 : i32, i32
  }
  func.func @transform_3(%arg0: i32) -> (i32, i32) {
    %c0_i32 = arith.constant 0 : i32
    %c0_i32_0 = arith.constant 0 : i32
    return %arg0, %c0_i32 : i32, i32
  }
}

module attributes {stable_mosaic.version = 14 : i64} {
  func.func @body(%arg0: i32, %arg1: memref<1x2000x128xf32, #tpu.memory_space<vmem>>, %arg2: memref<1x2000x128xf32, #tpu.memory_space<vmem>>, %arg3: memref<2000x128xf32, #tpu.memory_space<vmem>>, %arg4: memref<2000x128xf32, #tpu.memory_space<vmem>>, %arg5: memref<128x128xf32, #tpu.memory_space<vmem>>, %arg6: memref<1x128xf32, #tpu.memory_space<vmem>>, %arg7: memref<1x128xf32, #tpu.memory_space<vmem>>, %arg8: memref<2000x128xf32, #tpu.memory_space<vmem>>) attributes {dimension_semantics = [#tpu.dimension_semantics<arbitrary>], iteration_bounds = array<i64: 5>, scalar_prefetch = 0 : i64, scratch_operands = 0 : i64, tpu.core_type = #tpu.core_type<tc>, window_params = [{transform_indices = @transform_0, window_bounds = array<i64: 1, 2000, 128>}, {transform_indices = @transform_1, window_bounds = array<i64: 1, 2000, 128>}, {transform_indices = @transform_2, window_bounds = array<i64: 2000, 128>}, {transform_indices = @transform_3, window_bounds = array<i64: 2000, 128>}, {pipeline_mode = #tpu.pipeline_mode<synchronous>, transform_indices = @transform_4, window_bounds = array<i64: 128, 128>}, {pipeline_mode = #tpu.pipeline_mode<synchronous>, transform_indices = @transform_5, window_bounds = array<i64: 1, 128>}, {pipeline_mode = #tpu.pipeline_mode<synchronous>, transform_indices = @transform_6, window_bounds = array<i64: 1, 128>}, {transform_indices = @transform_7, window_bounds = array<i64: 2000, 128>}]} {
    %get3A = arith.constant 0 : index
    %get3A_0 = arith.constant 0 : index
    %get3A_1 = arith.constant 0 : index
    %get3A_2 = vector.load %arg1[%get3A, %get3A_0, %get3A_1] : memref<1x2000x128xf32, #tpu.memory_space<vmem>>, vector<1x2000x128xf32>
    %get3A_3 = vector.shape_cast %get3A_2 : vector<1x2000x128xf32> to vector<2000x128xf32>
    %get3A_4 = arith.constant 0 : index
    %get3A_5 = arith.constant 0 : index
    %get3A_6 = arith.constant 0 : index
    %get3A_7 = vector.load %arg2[%get3A_4, %get3A_5, %get3A_6] : memref<1x2000x128xf32, #tpu.memory_space<vmem>>, vector<1x2000x128xf32>
    %get3A_8 = vector.shape_cast %get3A_7 : vector<1x2000x128xf32> to vector<2000x128xf32>
    %add3A = arith.addf %get3A_3, %get3A_8 : vector<2000x128xf32>
    %get3A_9 = arith.constant 0 : index
    %get3A_10 = arith.constant 0 : index
    %get3A_11 = vector.load %arg5[%get3A_9, %get3A_10] : memref<128x128xf32, #tpu.memory_space<vmem>>, vector<128x128xf32>
    %dot_general3A = arith.constant dense<0.000000e+00> : vector<2000x128xf32>
    %dot_general3A_12 = tpu.matmul %add3A, %get3A_11, %dot_general3A {dimension_numbers = #tpu.dot_dimension_numbers<[1], [1], [0], [0], [0, 0, 1, 0], [], []>, transpose_lhs_hint = false} : vector<2000x128xf32>, vector<128x128xf32>, vector<2000x128xf32> -> vector<2000x128xf32>
    %get3A_13 = arith.constant 0 : index
    %get3A_14 = arith.constant 0 : index
    %get3A_15 = vector.load %arg3[%get3A_13, %get3A_14] : memref<2000x128xf32, #tpu.memory_space<vmem>>, vector<2000x128xf32>
    %add3A_16 = arith.addf %dot_general3A_12, %get3A_15 : vector<2000x128xf32>
    %reduce_sum3A = arith.constant dense<0.000000e+00> : vector<2000xf32>
    %reduce_sum3A_17 = vector.multi_reduction <add>, %add3A_16, %reduce_sum3A [1] : vector<2000x128xf32> to vector<2000xf32>
    %broadcast_in_dim3A = vector.shape_cast %reduce_sum3A_17 : vector<2000xf32> to vector<2000x1xf32>
    %div3A = arith.constant 1.280000e+02 : f32
    %div3A_18 = vector.broadcast %div3A : f32 to vector<2000x1xf32>
    %div3A_19 = arith.divf %broadcast_in_dim3A, %div3A_18 : vector<2000x1xf32>
    %sub3A = vector.broadcast %div3A_19 : vector<2000x1xf32> to vector<2000x128xf32>
    %sub3A_20 = arith.subf %add3A_16, %sub3A : vector<2000x128xf32>
    %integer_pow3A = arith.mulf %sub3A_20, %sub3A_20 : vector<2000x128xf32>
    %reduce_sum3A_21 = arith.constant dense<0.000000e+00> : vector<2000xf32>
    %reduce_sum3A_22 = vector.multi_reduction <add>, %integer_pow3A, %reduce_sum3A_21 [1] : vector<2000x128xf32> to vector<2000xf32>
    %broadcast_in_dim3A_23 = vector.shape_cast %reduce_sum3A_22 : vector<2000xf32> to vector<2000x1xf32>
    %div3A_24 = arith.constant 1.280000e+02 : f32
    %div3A_25 = vector.broadcast %div3A_24 : f32 to vector<2000x1xf32>
    %div3A_26 = arith.divf %broadcast_in_dim3A_23, %div3A_25 : vector<2000x1xf32>
    %sub3A_27 = vector.broadcast %div3A_19 : vector<2000x1xf32> to vector<2000x128xf32>
    %sub3A_28 = arith.subf %add3A_16, %sub3A_27 : vector<2000x128xf32>
    %add3A_29 = arith.constant 9.99999974E-6 : f32
    %add3A_30 = vector.broadcast %add3A_29 : f32 to vector<2000x1xf32>
    %add3A_31 = arith.addf %div3A_26, %add3A_30 : vector<2000x1xf32>
    %rsqrt3A = math.rsqrt %add3A_31 : vector<2000x1xf32>
    %mul3A = vector.broadcast %rsqrt3A : vector<2000x1xf32> to vector<2000x128xf32>
    %mul3A_32 = arith.mulf %sub3A_28, %mul3A : vector<2000x128xf32>
    %get3A_33 = arith.constant 0 : index
    %get3A_34 = arith.constant 0 : index
    %get3A_35 = vector.load %arg6[%get3A_33, %get3A_34] : memref<1x128xf32, #tpu.memory_space<vmem>>, vector<1x128xf32>
    %mul3A_36 = vector.broadcast %get3A_35 : vector<1x128xf32> to vector<2000x128xf32>
    %mul3A_37 = arith.mulf %mul3A_32, %mul3A_36 : vector<2000x128xf32>
    %get3A_38 = arith.constant 0 : index
    %get3A_39 = arith.constant 0 : index
    %get3A_40 = vector.load %arg7[%get3A_38, %get3A_39] : memref<1x128xf32, #tpu.memory_space<vmem>>, vector<1x128xf32>
    %add3A_41 = vector.broadcast %get3A_40 : vector<1x128xf32> to vector<2000x128xf32>
    %add3A_42 = arith.addf %mul3A_37, %add3A_41 : vector<2000x128xf32>
    %ge3A = arith.constant 0.000000e+00 : f32
    %ge3A_43 = vector.broadcast %ge3A : f32 to vector<2000x128xf32>
    %ge3A_44 = arith.cmpf oge, %add3A_42, %ge3A_43 : vector<2000x128xf32>
    %mul3A_45 = arith.constant 0.00999999977 : f32
    %mul3A_46 = vector.broadcast %mul3A_45 : f32 to vector<2000x128xf32>
    %mul3A_47 = arith.mulf %mul3A_46, %add3A_42 : vector<2000x128xf32>
    %select_n3A = arith.select %ge3A_44, %add3A_42, %mul3A_47 : vector<2000x128xi1>, vector<2000x128xf32>
    %get3A_48 = arith.constant 0 : index
    %get3A_49 = arith.constant 0 : index
    %get3A_50 = vector.load %arg4[%get3A_48, %get3A_49] : memref<2000x128xf32, #tpu.memory_space<vmem>>, vector<2000x128xf32>
    %add3A_51 = arith.addf %select_n3A, %get3A_50 : vector<2000x128xf32>
    %swap3A = arith.constant 0 : index
    %swap3A_52 = arith.constant 0 : index
    %swap3A_53 = vector.load %arg8[%swap3A, %swap3A_52] : memref<2000x128xf32, #tpu.memory_space<vmem>>, vector<2000x128xf32>
    tpu.vector_store %arg8[%swap3A, %swap3A_52], %add3A_51 {strides = array<i32>} : memref<2000x128xf32, #tpu.memory_space<vmem>>, vector<2000x128xf32>,
    return
  }
  func.func @transform_0(%arg0: i32) -> (i32, i32, i32) {
    %c0_i32 = arith.constant 0 : i32
    %c0_i32_0 = arith.constant 0 : i32
    %c0_i32_1 = arith.constant 0 : i32
    return %c0_i32, %arg0, %c0_i32_0 : i32, i32, i32
  }
  func.func @transform_1(%arg0: i32) -> (i32, i32, i32) {
    %c1_i32 = arith.constant 1 : i32
    %c0_i32 = arith.constant 0 : i32
    %c0_i32_0 = arith.constant 0 : i32
    return %c1_i32, %arg0, %c0_i32 : i32, i32, i32
  }
  func.func @transform_2(%arg0: i32) -> (i32, i32) {
    %c0_i32 = arith.constant 0 : i32
    %c0_i32_0 = arith.constant 0 : i32
    return %arg0, %c0_i32 : i32, i32
  }
  func.func @transform_3(%arg0: i32) -> (i32, i32) {
    %c0_i32 = arith.constant 0 : i32
    %c0_i32_0 = arith.constant 0 : i32
    return %arg0, %c0_i32 : i32, i32
  }
  func.func @transform_4(%arg0: i32) -> (i32, i32) {
    %c0_i32 = arith.constant 0 : i32
    %c0_i32_0 = arith.constant 0 : i32
    %c0_i32_1 = arith.constant 0 : i32
    return %c0_i32, %c0_i32_0 : i32, i32
  }
  func.func @transform_5(%arg0: i32) -> (i32, i32) {
    %c0_i32 = arith.constant 0 : i32
    %c0_i32_0 = arith.constant 0 : i32
    %c0_i32_1 = arith.constant 0 : i32
    return %c0_i32, %c0_i32_0 : i32, i32
  }
  func.func @transform_6(%arg0: i32) -> (i32, i32) {
    %c0_i32 = arith.constant 0 : i32
    %c0_i32_0 = arith.constant 0 : i32
    %c0_i32_1 = arith.constant 0 : i32
    return %c0_i32, %c0_i32_0 : i32, i32
  }
  func.func @transform_7(%arg0: i32) -> (i32, i32) {
    %c0_i32 = arith.constant 0 : i32
    %c0_i32_0 = arith.constant 0 : i32
    return %arg0, %c0_i32 : i32, i32
  }
}

module attributes {stable_mosaic.version = 14 : i64} {
  func.func @body(%arg0: i32, %arg1: memref<1x2000x128xf32, #tpu.memory_space<vmem>>, %arg2: memref<1x2000x128xf32, #tpu.memory_space<vmem>>, %arg3: memref<2000x128xf32, #tpu.memory_space<vmem>>, %arg4: memref<2000x128xf32, #tpu.memory_space<vmem>>, %arg5: memref<128x128xf32, #tpu.memory_space<vmem>>, %arg6: memref<1x128xf32, #tpu.memory_space<vmem>>, %arg7: memref<1x128xf32, #tpu.memory_space<vmem>>, %arg8: memref<2000x1xi32, #tpu.memory_space<vmem>>, %arg9: memref<64x128xf32, #tpu.memory_space<vmem>>, %arg10: memref<64x128xf32, #tpu.memory_space<vmem>>, %arg11: memref<64x1xf32, #tpu.memory_space<vmem>>) attributes {dimension_semantics = [#tpu.dimension_semantics<arbitrary>], iteration_bounds = array<i64: 5>, scalar_prefetch = 0 : i64, scratch_operands = 2 : i64, tpu.core_type = #tpu.core_type<tc>, window_params = [{transform_indices = @transform_0, window_bounds = array<i64: 1, 2000, 128>}, {transform_indices = @transform_1, window_bounds = array<i64: 1, 2000, 128>}, {transform_indices = @transform_2, window_bounds = array<i64: 2000, 128>}, {transform_indices = @transform_3, window_bounds = array<i64: 2000, 128>}, {pipeline_mode = #tpu.pipeline_mode<synchronous>, transform_indices = @transform_4, window_bounds = array<i64: 128, 128>}, {pipeline_mode = #tpu.pipeline_mode<synchronous>, transform_indices = @transform_5, window_bounds = array<i64: 1, 128>}, {pipeline_mode = #tpu.pipeline_mode<synchronous>, transform_indices = @transform_6, window_bounds = array<i64: 1, 128>}, {transform_indices = @transform_7, window_bounds = array<i64: 2000, 1>}, {pipeline_mode = #tpu.pipeline_mode<synchronous>, transform_indices = @transform_8, window_bounds = array<i64: 64, 128>}]} {
    %eq3A = arith.constant 0 : i32
    %eq3A_0 = arith.cmpi eq, %arg0, %eq3A : i32
    %convert_element_type3A = arith.extui %eq3A_0 : i1 to i32
    %cond3A = arith.constant 0 : i32
    %cond3A_1 = arith.cmpi ne, %convert_element_type3A, %cond3A : i32
    scf.if %cond3A_1 {
      %broadcast_in_dim3A_85 = arith.constant 0.000000e+00 : f32
      %broadcast_in_dim3A_86 = vector.broadcast %broadcast_in_dim3A_85 : f32 to vector<64x128xf32>
      %swap3A_87 = arith.constant 0 : index
      %swap3A_88 = arith.constant 0 : index
      %swap3A_89 = vector.load %arg10[%swap3A_87, %swap3A_88] : memref<64x128xf32, #tpu.memory_space<vmem>>, vector<64x128xf32>
      tpu.vector_store %arg10[%swap3A_87, %swap3A_88], %broadcast_in_dim3A_86 {strides = array<i32>} : memref<64x128xf32, #tpu.memory_space<vmem>>, vector<64x128xf32>,
      %broadcast_in_dim3A_90 = arith.constant 0.000000e+00 : f32
      %broadcast_in_dim3A_91 = vector.broadcast %broadcast_in_dim3A_90 : f32 to vector<64x1xf32>
      %swap3A_92 = arith.constant 0 : index
      %swap3A_93 = arith.constant 0 : index
      %swap3A_94 = vector.load %arg11[%swap3A_92, %swap3A_93] : memref<64x1xf32, #tpu.memory_space<vmem>>, vector<64x1xf32>
      tpu.vector_store %arg11[%swap3A_92, %swap3A_93], %broadcast_in_dim3A_91 {strides = array<i32>} : memref<64x1xf32, #tpu.memory_space<vmem>>, vector<64x1xf32>,
    } else {
    }
    %get3A = arith.constant 0 : index
    %get3A_2 = arith.constant 0 : index
    %get3A_3 = arith.constant 0 : index
    %get3A_4 = vector.load %arg1[%get3A, %get3A_2, %get3A_3] : memref<1x2000x128xf32, #tpu.memory_space<vmem>>, vector<1x2000x128xf32>
    %get3A_5 = vector.shape_cast %get3A_4 : vector<1x2000x128xf32> to vector<2000x128xf32>
    %get3A_6 = arith.constant 0 : index
    %get3A_7 = arith.constant 0 : index
    %get3A_8 = arith.constant 0 : index
    %get3A_9 = vector.load %arg2[%get3A_6, %get3A_7, %get3A_8] : memref<1x2000x128xf32, #tpu.memory_space<vmem>>, vector<1x2000x128xf32>
    %get3A_10 = vector.shape_cast %get3A_9 : vector<1x2000x128xf32> to vector<2000x128xf32>
    %add3A = arith.addf %get3A_5, %get3A_10 : vector<2000x128xf32>
    %get3A_11 = arith.constant 0 : index
    %get3A_12 = arith.constant 0 : index
    %get3A_13 = vector.load %arg5[%get3A_11, %get3A_12] : memref<128x128xf32, #tpu.memory_space<vmem>>, vector<128x128xf32>
    %dot_general3A = arith.constant dense<0.000000e+00> : vector<2000x128xf32>
    %dot_general3A_14 = tpu.matmul %add3A, %get3A_13, %dot_general3A {dimension_numbers = #tpu.dot_dimension_numbers<[1], [1], [0], [0], [0, 0, 1, 0], [], []>, transpose_lhs_hint = false} : vector<2000x128xf32>, vector<128x128xf32>, vector<2000x128xf32> -> vector<2000x128xf32>
    %get3A_15 = arith.constant 0 : index
    %get3A_16 = arith.constant 0 : index
    %get3A_17 = vector.load %arg3[%get3A_15, %get3A_16] : memref<2000x128xf32, #tpu.memory_space<vmem>>, vector<2000x128xf32>
    %add3A_18 = arith.addf %dot_general3A_14, %get3A_17 : vector<2000x128xf32>
    %reduce_sum3A = arith.constant dense<0.000000e+00> : vector<2000xf32>
    %reduce_sum3A_19 = vector.multi_reduction <add>, %add3A_18, %reduce_sum3A [1] : vector<2000x128xf32> to vector<2000xf32>
    %broadcast_in_dim3A = vector.shape_cast %reduce_sum3A_19 : vector<2000xf32> to vector<2000x1xf32>
    %div3A = arith.constant 1.280000e+02 : f32
    %div3A_20 = vector.broadcast %div3A : f32 to vector<2000x1xf32>
    %div3A_21 = arith.divf %broadcast_in_dim3A, %div3A_20 : vector<2000x1xf32>
    %sub3A = vector.broadcast %div3A_21 : vector<2000x1xf32> to vector<2000x128xf32>
    %sub3A_22 = arith.subf %add3A_18, %sub3A : vector<2000x128xf32>
    %integer_pow3A = arith.mulf %sub3A_22, %sub3A_22 : vector<2000x128xf32>
    %reduce_sum3A_23 = arith.constant dense<0.000000e+00> : vector<2000xf32>
    %reduce_sum3A_24 = vector.multi_reduction <add>, %integer_pow3A, %reduce_sum3A_23 [1] : vector<2000x128xf32> to vector<2000xf32>
    %broadcast_in_dim3A_25 = vector.shape_cast %reduce_sum3A_24 : vector<2000xf32> to vector<2000x1xf32>
    %div3A_26 = arith.constant 1.280000e+02 : f32
    %div3A_27 = vector.broadcast %div3A_26 : f32 to vector<2000x1xf32>
    %div3A_28 = arith.divf %broadcast_in_dim3A_25, %div3A_27 : vector<2000x1xf32>
    %sub3A_29 = vector.broadcast %div3A_21 : vector<2000x1xf32> to vector<2000x128xf32>
    %sub3A_30 = arith.subf %add3A_18, %sub3A_29 : vector<2000x128xf32>
    %add3A_31 = arith.constant 9.99999974E-6 : f32
    %add3A_32 = vector.broadcast %add3A_31 : f32 to vector<2000x1xf32>
    %add3A_33 = arith.addf %div3A_28, %add3A_32 : vector<2000x1xf32>
    %rsqrt3A = math.rsqrt %add3A_33 : vector<2000x1xf32>
    %mul3A = vector.broadcast %rsqrt3A : vector<2000x1xf32> to vector<2000x128xf32>
    %mul3A_34 = arith.mulf %sub3A_30, %mul3A : vector<2000x128xf32>
    %get3A_35 = arith.constant 0 : index
    %get3A_36 = arith.constant 0 : index
    %get3A_37 = vector.load %arg6[%get3A_35, %get3A_36] : memref<1x128xf32, #tpu.memory_space<vmem>>, vector<1x128xf32>
    %mul3A_38 = vector.broadcast %get3A_37 : vector<1x128xf32> to vector<2000x128xf32>
    %mul3A_39 = arith.mulf %mul3A_34, %mul3A_38 : vector<2000x128xf32>
    %get3A_40 = arith.constant 0 : index
    %get3A_41 = arith.constant 0 : index
    %get3A_42 = vector.load %arg7[%get3A_40, %get3A_41] : memref<1x128xf32, #tpu.memory_space<vmem>>, vector<1x128xf32>
    %add3A_43 = vector.broadcast %get3A_42 : vector<1x128xf32> to vector<2000x128xf32>
    %add3A_44 = arith.addf %mul3A_39, %add3A_43 : vector<2000x128xf32>
    %ge3A = arith.constant 0.000000e+00 : f32
    %ge3A_45 = vector.broadcast %ge3A : f32 to vector<2000x128xf32>
    %ge3A_46 = arith.cmpf oge, %add3A_44, %ge3A_45 : vector<2000x128xf32>
    %mul3A_47 = arith.constant 0.00999999977 : f32
    %mul3A_48 = vector.broadcast %mul3A_47 : f32 to vector<2000x128xf32>
    %mul3A_49 = arith.mulf %mul3A_48, %add3A_44 : vector<2000x128xf32>
    %select_n3A = arith.select %ge3A_46, %add3A_44, %mul3A_49 : vector<2000x128xi1>, vector<2000x128xf32>
    %get3A_50 = arith.constant 0 : index
    %get3A_51 = arith.constant 0 : index
    %get3A_52 = vector.load %arg4[%get3A_50, %get3A_51] : memref<2000x128xf32, #tpu.memory_space<vmem>>, vector<2000x128xf32>
    %add3A_53 = arith.addf %select_n3A, %get3A_52 : vector<2000x128xf32>
    %get3A_54 = arith.constant 0 : index
    %get3A_55 = arith.constant 0 : index
    %get3A_56 = vector.load %arg8[%get3A_54, %get3A_55] : memref<2000x1xi32, #tpu.memory_space<vmem>>, vector<2000x1xi32>
    %iota3A = tpu.iota {dimensions = array<i32: 1>} : vector<2000x64xi32>
    %eq3A_57 = vector.broadcast %get3A_56 : vector<2000x1xi32> to vector<2000x64xi32>
    %eq3A_58 = arith.cmpi eq, %eq3A_57, %iota3A : vector<2000x64xi32>
    %convert_element_type3A_59 = arith.extui %eq3A_58 : vector<2000x64xi1> to vector<2000x64xi32>
    %convert_element_type3A_60 = arith.sitofp %convert_element_type3A_59 : vector<2000x64xi32> to vector<2000x64xf32>
    %get3A_61 = arith.constant 0 : index
    %get3A_62 = arith.constant 0 : index
    %get3A_63 = vector.load %arg10[%get3A_61, %get3A_62] : memref<64x128xf32, #tpu.memory_space<vmem>>, vector<64x128xf32>
    %dot_general3A_64 = arith.constant dense<0.000000e+00> : vector<64x128xf32>
    %dot_general3A_65 = tpu.matmul %convert_element_type3A_60, %add3A_53, %dot_general3A_64 {dimension_numbers = #tpu.dot_dimension_numbers<[0], [0], [1], [1], [0, 1, 1, 1], [], []>, transpose_lhs_hint = false} : vector<2000x64xf32>, vector<2000x128xf32>, vector<64x128xf32> -> vector<64x128xf32>
    %add3A_66 = arith.addf %get3A_63, %dot_general3A_65 : vector<64x128xf32>
    %swap3A = arith.constant 0 : index
    %swap3A_67 = arith.constant 0 : index
    %swap3A_68 = vector.load %arg10[%swap3A, %swap3A_67] : memref<64x128xf32, #tpu.memory_space<vmem>>, vector<64x128xf32>
    tpu.vector_store %arg10[%swap3A, %swap3A_67], %add3A_66 {strides = array<i32>} : memref<64x128xf32, #tpu.memory_space<vmem>>, vector<64x128xf32>,
    %get3A_69 = arith.constant 0 : index
    %get3A_70 = arith.constant 0 : index
    %get3A_71 = vector.load %arg11[%get3A_69, %get3A_70] : memref<64x1xf32, #tpu.memory_space<vmem>>, vector<64x1xf32>
    %broadcast_in_dim3A_72 = arith.constant 1.000000e+00 : f32
    %broadcast_in_dim3A_73 = vector.broadcast %broadcast_in_dim3A_72 : f32 to vector<2000x1xf32>
    %dot_general3A_74 = arith.constant dense<0.000000e+00> : vector<64x1xf32>
    %dot_general3A_75 = tpu.matmul %convert_element_type3A_60, %broadcast_in_dim3A_73, %dot_general3A_74 {dimension_numbers = #tpu.dot_dimension_numbers<[0], [0], [1], [1], [0, 1, 1, 1], [], []>, transpose_lhs_hint = false} : vector<2000x64xf32>, vector<2000x1xf32>, vector<64x1xf32> -> vector<64x1xf32>
    %add3A_76 = arith.addf %get3A_71, %dot_general3A_75 : vector<64x1xf32>
    %swap3A_77 = arith.constant 0 : index
    %swap3A_78 = arith.constant 0 : index
    %swap3A_79 = vector.load %arg11[%swap3A_77, %swap3A_78] : memref<64x1xf32, #tpu.memory_space<vmem>>, vector<64x1xf32>
    tpu.vector_store %arg11[%swap3A_77, %swap3A_78], %add3A_76 {strides = array<i32>} : memref<64x1xf32, #tpu.memory_space<vmem>>, vector<64x1xf32>,
    %eq3A_80 = arith.constant 4 : i32
    %eq3A_81 = arith.cmpi eq, %arg0, %eq3A_80 : i32
    %convert_element_type3A_82 = arith.extui %eq3A_81 : i1 to i32
    %cond3A_83 = arith.constant 0 : i32
    %cond3A_84 = arith.cmpi ne, %convert_element_type3A_82, %cond3A_83 : i32
    scf.if %cond3A_84 {
      %get3A_85 = arith.constant 0 : index
      %get3A_86 = arith.constant 0 : index
      %get3A_87 = vector.load %arg10[%get3A_85, %get3A_86] : memref<64x128xf32, #tpu.memory_space<vmem>>, vector<64x128xf32>
      %get3A_88 = arith.constant 0 : index
      %get3A_89 = arith.constant 0 : index
      %get3A_90 = vector.load %arg11[%get3A_88, %get3A_89] : memref<64x1xf32, #tpu.memory_space<vmem>>, vector<64x1xf32>
      %max3A = arith.constant 1.000000e+00 : f32
      %max3A_91 = vector.broadcast %max3A : f32 to vector<64x1xf32>
      %max3A_92 = arith.maximumf %get3A_90, %max3A_91 : vector<64x1xf32>
      %div3A_93 = vector.broadcast %max3A_92 : vector<64x1xf32> to vector<64x128xf32>
      %div3A_94 = arith.divf %get3A_87, %div3A_93 : vector<64x128xf32>
      %swap3A_95 = arith.constant 0 : index
      %swap3A_96 = arith.constant 0 : index
      %swap3A_97 = vector.load %arg9[%swap3A_95, %swap3A_96] : memref<64x128xf32, #tpu.memory_space<vmem>>, vector<64x128xf32>
      tpu.vector_store %arg9[%swap3A_95, %swap3A_96], %div3A_94 {strides = array<i32>} : memref<64x128xf32, #tpu.memory_space<vmem>>, vector<64x128xf32>,
    } else {
    }
    return
  }
  func.func @transform_0(%arg0: i32) -> (i32, i32, i32) {
    %c0_i32 = arith.constant 0 : i32
    %c0_i32_0 = arith.constant 0 : i32
    %c0_i32_1 = arith.constant 0 : i32
    return %c0_i32, %arg0, %c0_i32_0 : i32, i32, i32
  }
  func.func @transform_1(%arg0: i32) -> (i32, i32, i32) {
    %c1_i32 = arith.constant 1 : i32
    %c0_i32 = arith.constant 0 : i32
    %c0_i32_0 = arith.constant 0 : i32
    return %c1_i32, %arg0, %c0_i32 : i32, i32, i32
  }
  func.func @transform_2(%arg0: i32) -> (i32, i32) {
    %c0_i32 = arith.constant 0 : i32
    %c0_i32_0 = arith.constant 0 : i32
    return %arg0, %c0_i32 : i32, i32
  }
  func.func @transform_3(%arg0: i32) -> (i32, i32) {
    %c0_i32 = arith.constant 0 : i32
    %c0_i32_0 = arith.constant 0 : i32
    return %arg0, %c0_i32 : i32, i32
  }
  func.func @transform_4(%arg0: i32) -> (i32, i32) {
    %c0_i32 = arith.constant 0 : i32
    %c0_i32_0 = arith.constant 0 : i32
    %c0_i32_1 = arith.constant 0 : i32
    return %c0_i32, %c0_i32_0 : i32, i32
  }
  func.func @transform_5(%arg0: i32) -> (i32, i32) {
    %c0_i32 = arith.constant 0 : i32
    %c0_i32_0 = arith.constant 0 : i32
    %c0_i32_1 = arith.constant 0 : i32
    return %c0_i32, %c0_i32_0 : i32, i32
  }
  func.func @transform_6(%arg0: i32) -> (i32, i32) {
    %c0_i32 = arith.constant 0 : i32
    %c0_i32_0 = arith.constant 0 : i32
    %c0_i32_1 = arith.constant 0 : i32
    return %c0_i32, %c0_i32_0 : i32, i32
  }
  func.func @transform_7(%arg0: i32) -> (i32, i32) {
    %c0_i32 = arith.constant 0 : i32
    %c0_i32_0 = arith.constant 0 : i32
    return %arg0, %c0_i32 : i32, i32
  }
  func.func @transform_8(%arg0: i32) -> (i32, i32) {
    %c0_i32 = arith.constant 0 : i32
    %c0_i32_0 = arith.constant 0 : i32
    %c0_i32_1 = arith.constant 0 : i32
    return %c0_i32, %c0_i32_0 : i32, i32
  }
}

</mosaic_0001>

<sc_bundles>
// kernel: kernel.12.cloned.1.call-start
scs
__scs_entry_jumppad:
0x0: {  	(pc) =	sbr.rel $0x88, $3  }
0x1: {  	(tag) =	ssettag $0x0;
	lr =	simm.s32 $0x1  }
0x2: {  	[smem:$0x3F90] =	sst lr;
	_ =	strace $0xD0000000  }
0x3: {  	_ = 	snop  }
0x4: {  	_ = 	snop  }
0x5: {  	_ = 	snop  }
0x6: {  	_ = 	snop  }
0x7: {  	_ = 	snop  }
__scs_overlays_trampoline_lowered:
0x8: {  	[smem:$0x3F9F] =	sst s0  }
0x9: {  	[smem:$0x3FA0] =	sst s1  }
0xa: {  	[smem:$0x3FA1] =	sst s2  }
0xb: {  	[smem:$0x3FA2] =	sst s3  }
0xc: {  	[smem:$0x3FA3] =	sst s4  }
0xd: {  	[smem:$0x3FA4] =	sst s5  }
0xe: {  	[smem:$0x3FA5] =	sst s6  }
0xf: {  	[smem:$0x3FA6] =	sst s7  }
0x10: {  	[smem:$0x3FA7] =	sst s8  }
0x11: {  	[smem:$0x3FA8] =	sst s9;
	s0 =	simm.s32 @!p0 $0x0  }
0x12: {  	s1 =	sld [smem:$0x3F8E];
	s0 =	simm.s32 @p0 $0x1  }
0x13: {  	[smem:$0x3FA9] =	sst s0;
	s0 =	simm.s32 @!p1 $0x0  }
0x14: {  	s2 =	sld [smem:$0x3F8D];
	s0 =	simm.s32 @p1 $0x1  }
0x15: {  	[smem:$0x3FAA] =	sst s0;
	s0 =	simm.s32 @!p2 $0x0  }
0x16: {  	s3 =	sld [smem:$0x3FDB];
	s0 =	simm.s32 @p2 $0x1  }
0x17: {  	s4 =	simm.s32 $0x1BF5;
	[smem:$0x3FAC] =	sst s0  }
0x18: {  	s0 =	sld [smem:$0x3F8F];
	_ =	swait.ge [sflag:s4], $0x0  }
0x19: {  	s7 =	sld [smem:$0x3F90]  }
0x1a: {  	s8 =	sadd.s32 $0xFFFFE003, lr  }
0x1b: {  	s9 =	sadd.s32 $0xFFFFFEF7, lr;
	s5 =	simm.s32 $0xFFFFFFFF;
	p2 =	slt.u32 s8, $0xFFFFF086  }
0x1c: {  	p1 =	slt.u32 s9, $0xF7A;
	s5 =	simm.s32 @!p2 $0x0  }
0x1d: {  	s5 =	simm.s32 @p1 $0x1;
	p0 =	seq.s32 s7, s2  }
0x1e: {  	s7 =	smul.u32 @!p0 $0xF7A, s2;
	p2 =	seq.s32 @!p0 s5, $0x0  }
0x1f: {  	s9 =	smul.u32 $0xF7A, s1;
	s8 =	simm.s32 @!p0 $0x1BF5;
	p2 =	por !p2, p0  }
0x20: {  	[sflag:s8] =	ssyncset.s32 @!p0 $0xFFFFF086;
	s6 =	sadd.s32 @!p0 s3, s7;
	s7 =	simm.s32 @!p0 $0x108  }
0x21: {  	s3 =	sadd.s32 s3, s9;
	s6 =	sadd.s32 @!p0 $0x88, s6;
	s7 =	simm.s32 @p2 $0x1082  }
0x22: {  	[simem:s7], [sflag:s8] =	dma.local @!p0 [hbm:s6], $0xF7A  }
0x23: {  	s9 =	sor.u32 $0xD0000000, s2;
	s6 =	simm.s32 $0x108;
	_ =	swait.ge @!p0 [sflag:s8], $0x0  }
0x24: {  	s3 =	sadd.s32 $0x88, s3;
	s6 =	simm.s32 @!p1 $0x1082;
	[sflag:s4] =	ssyncset.s32 $0xFFFFF086  }
0x25: {  	[simem:s6], [sflag:s4] =	dma.local [hbm:s3], $0xF7A  }
0x26: {  	[smem:$0x3F90] =	sst s1;
	(tag) =	ssettag s2;
	_ =	strace s9  }
0x27: {  	s1 =	sld [smem:$0x3FA0]  }
0x28: {  	s2 =	sld [smem:$0x3FA1]  }
0x29: {  	s4 =	sld [smem:$0x3FA3]  }
0x2a: {  	p0 =	seq.s32 s5, $0x0;
	s5 =	sld [smem:$0x3FA4]  }
0x2b: {  	s6 =	sld [smem:$0x3FA5]  }
0x2c: {  	s7 =	sld [smem:$0x3FA6]  }
0x2d: {  	s3 =	simm.s32 $0x108;
	s8 =	sld [smem:$0x3FA7]  }
0x2e: {  	s3 =	simm.s32 @!p0 $0x1082;
	s9 =	sld [smem:$0x3FA8]  }
0x2f: {  	lr =	sadd.s32 s0, s3;
	s0 =	sld [smem:$0x3F9F]  }
0x30: {  	s3 =	sld [smem:$0x3FA2]  }
0x31: {  	[smem:$0x3FAB] =	sst s10  }
0x32: {  	s10 =	sld [smem:$0x3FA9];
	_ =	sdelay $0x3  }
0x33: {  	p0 =	seq.s32 s10, $0x1;
	s10 =	sld [smem:$0x3FAB];
	_ =	sdelay $0x3  }
0x34: {  	[smem:$0x3FAB] =	sst s10  }
0x35: {  	s10 =	sld [smem:$0x3FAA];
	_ =	sdelay $0x3  }
0x36: {  	p1 =	seq.s32 s10, $0x1;
	s10 =	sld [smem:$0x3FAB];
	_ =	sdelay $0x3  }
0x37: {  	[smem:$0x3FAB] =	sst s10  }
0x38: {  	s10 =	sld [smem:$0x3FAC]  }
0x39: {  	_ = 	snop;
	(pc) =	sbr.ind lr, $3  }
0x3a: {  	_ = 	snop  }
0x3b: {  	_ = 	snop  }
0x3c: {  	p2 =	seq.s32 s10, $0x1;
	s10 =	sld [smem:$0x3FAB]  }
0x3d: {  	_ =	shalt  }
0x3e: {  	_ =	shalt  }
0x3f: {  	_ =	shalt  }
0x40: {  	_ =	shalt  }
0x41: {  	_ =	shalt  }
0x42: {  	_ =	shalt  }
0x43: {  	_ =	shalt  }
0x44: {  	_ =	shalt  }
0x45: {  	_ =	shalt  }
0x46: {  	_ =	shalt  }
0x47: {  	_ =	shalt  }
0x48: {  	_ =	shalt  }
0x49: {  	_ =	shalt  }
0x4a: {  	_ =	shalt  }
0x4b: {  	_ =	shalt  }
0x4c: {  	_ =	shalt  }
0x4d: {  	_ =	shalt  }
0x4e: {  	_ =	shalt  }
0x4f: {  	_ =	shalt  }
0x50: {  	_ =	shalt  }
0x51: {  	_ =	shalt  }
0x52: {  	_ =	shalt  }
0x53: {  	_ =	shalt  }
0x54: {  	_ =	shalt  }
0x55: {  	_ =	shalt  }
0x56: {  	_ =	shalt  }
0x57: {  	_ =	shalt  }
0x58: {  	_ =	shalt  }
0x59: {  	_ =	shalt  }
0x5a: {  	_ =	shalt  }
0x5b: {  	_ =	shalt  }
0x5c: {  	_ =	shalt  }
0x5d: {  	_ =	shalt  }
0x5e: {  	_ =	shalt  }
0x5f: {  	_ =	shalt  }
0x60: {  	_ =	shalt  }
0x61: {  	_ =	shalt  }
0x62: {  	_ =	shalt  }
0x63: {  	_ =	shalt  }
0x64: {  	_ =	shalt  }
0x65: {  	_ =	shalt  }
0x66: {  	_ =	shalt  }
0x67: {  	_ =	shalt  }
0x68: {  	_ =	shalt  }
0x69: {  	_ =	shalt  }
0x6a: {  	_ =	shalt  }
0x6b: {  	_ =	shalt  }
0x6c: {  	_ =	shalt  }
0x6d: {  	_ =	shalt  }
0x6e: {  	_ =	shalt  }
0x6f: {  	_ =	shalt  }
0x70: {  	_ =	shalt  }
0x71: {  	_ =	shalt  }
0x72: {  	_ =	shalt  }
0x73: {  	_ =	shalt  }
0x74: {  	_ =	shalt  }
0x75: {  	_ =	shalt  }
0x76: {  	_ =	shalt  }
0x77: {  	_ =	shalt  }
0x78: {  	_ =	shalt  }
0x79: {  	_ =	shalt  }
0x7a: {  	_ =	shalt  }
0x7b: {  	_ =	shalt  }
0x7c: {  	_ =	shalt  }
0x7d: {  	_ =	shalt  }
0x7e: {  	_ =	shalt  }
0x7f: {  	_ =	shalt  }
0x80: {  	_ =	shalt  }
0x81: {  	_ =	shalt  }
0x82: {  	_ =	shalt  }
0x83: {  	_ =	shalt  }
0x84: {  	_ =	shalt  }
0x85: {  	_ =	shalt  }
0x86: {  	_ =	shalt  }
0x87: {  	_ =	shalt  }
.Lfunc_end0:
.L_simem_size_0:
called_computation.1_lowered:
.L_overlay_start_0:
0x88: {  	s2 =	sld [smem:$0x3FD9]  }
0x89: {  	s3 =	sld [smem:$0x3FFE];
	_ =	sdelay $0x1  }
0x8a: {  	s1 =	srdreg.scid  }
0x8b: {  	s0 =	sand.u32 $0x1, s1  }
0x8c: {  	s16 =	sshll.u32 s0, $0xA;
	s2 =	sadd.s32 s3, s2  }
0x8d: {  	s2 =	sadd.s32 s2, s16  }
0x8e: {  	[smem:$0x3FB7] =	sst s2  }
0x8f: {  	_ = 	snop  }
0x90: {  	(tm) =	ssettm $0x1  }
0x91: {  	s17 =	sld [smem:$0x3FFB];
	_ =	sdelay $0x3  }
0x92: {  	_ =	strace s17  }
0x93: {  	s2 =	sld [smem:$0x3FFC];
	_ =	sdelay $0x3  }
0x94: {  	_ =	strace s2  }
0x95: {  	s2 =	sld [smem:$0x3FFD];
	_ =	sdelay $0x3  }
0x96: {  	_ =	strace s2  }
0x97: {  	_ =	strace $0x8FFFFFFF  }
0x98: {  	s18 =	sld [smem:$0x3FDB];
	_ =	sdelay $0x1  }
0x99: {  	s19 =	simm.s32 $_scs_section_size  }
0x9a: {  	s4 =	simm.s32 $_size__tile_overlayer_lowered;
	s5 =	simm.s32 $_tile_overlayer_lowered  }
0x9b: {  	s22 =	simm.s32 $0x1BFF;
	s21 =	sshll.u32 s5, $0x1;
	s2 =	sadd.s32 s19, s18  }
0x9c: {  	s6 =	simm.s32 $0x0;
	s20 =	sshll.u32 s4, $0x1;
	s4 =	sadd.s32 s21, s2  }
0x9d: {  	[timem:s6], [sflag:s22] =	dma.local [hbm:s4], s20  }
0x9e: {  	_ =	swait.ge [sflag:s22], s20  }
0x9f: {  	s3 =	ssub.s32 $0x0, s20;
	[sflag:s22] =	ssyncset.done $0x0  }
0xa0: {  	[sflag:s22] =	ssyncadd.s32 s3;
	_ =	sdelay $0x1  }
0xa1: {  	s23 =	simm.s32 $0x1B8B  }
0xa2: {  	_ =	swait.ge [sflag:s23], $0x1  }
0xa3: {  	[sflag:s23] =	ssyncset.done $0x0  }
0xa4: {  	s25 =	simm.s32 $0x1B8E;
	s24 =	sld [smem:$0x3FFE];
	[sflag:s23] =	ssyncadd.s32 $0xFFFFFFFF  }
0xa5: {  	s26 =	simm.s32 $execute0_lowered;
	[smem:$0x3FD2] =	sst s25  }
0xa6: {  	s4 =	sshll.u32 s26, $0x1;
	_ =	strace $0x80000049;
	[dreg:$0x1] =	wrdreg $0xFFFFFFFF  }
0xa7: {  	s28 =	simm.s32 $_size_execute0_lowered;
	s2 =	sadd.s32 s2, s4;
	[dreg:$0x0] =	wrdreg $0x0  }
0xa8: {  	s4 =	sshll.u32 s28, $0x1;
	[dreg:$0x2] =	wrdreg s2  }
0xa9: {  	[dreg:$0x3] =	wrdreg s4  }
0xaa: {  	[dreg:$0x4] =	wrdreg $0xC0  }
0xab: {  	_ =	task [dreg:s6], $0x5FFFF  }
0xac: {  	[dreg:$0x1] =	wrdreg $0xFFFFFFFF  }
0xad: {  	[dreg:$0x0] =	wrdreg $0x60  }
0xae: {  	[dreg:$0x2] =	wrdreg s24  }
0xaf: {  	[dreg:$0x3] =	wrdreg $0xA8000  }
0xb0: {  	[dreg:$0x4] =	wrdreg $0x9  }
0xb1: {  	_ =	task.clear_ibuf [dreg:s6], $0x5FFFF;
	_ =	strace $0x90000049  }
0xb2: {  	s29 =	simm.s32 $0x9;
	_ =	strace $0x8000004B  }
0xb3: {  	_ =	swait.ge [sflag:s29], $0x1  }
0xb4: {  	[sflag:s29] =	ssyncadd.s32 $0xFFFFFFFF  }
0xb5: {  	_ =	strace $0x9000004B  }
0xb6: {  	_ =	sfence  }
0xb7: {  	s30 =	sld [smem:$0x0];
	_ =	sdelay $0x2  }
0xb8: {  	s31 =	sshll.u32 s1, $0xD;
	s1 =	sshrl.u32 s1, $0x2  }
0xb9: {  	s3 =	sand.u32 $0x4000, s31;
	s1 =	sadd.s32 s1, s30  }
0xba: {  	s0 =	sor.u32 s3, s0;
	s1 =	sshll.u32 s1, $0x11  }
0xbb: {  	s0 =	sor.u32 s1, s0  }
0xbc: {  	s0 =	sadd.s32 $0x8F2B, s0  }
0xbd: {  	[sflag:s0] =	ssyncadd.remote.s32 $0x1  }
0xbe: {  	_ =	sfence.sel $0xFFFF  }
0xbf: {  	[dreg:$0x0] =	wrdreg $0xFFFFFFFF;
	(pc) =	sbr.abs _section_cstart, $3  }
0xc0: {  	[dreg:$0x1] =	wrdreg $0xFFFFFFFF  }
0xc1: {  	_ =	task.clear_ibuf [dreg:s6], $0x2FFFF;
	_ =	strace $0x9FFFFFFF  }
0xc2: {  	(tm) =	ssettm $0x7FFFFFFF  }
0xc3: {  	_ =	shalt  }
tec
execute0_lowered:
.L_overlay_start_1:
0x0: {  	(tag) =	ssettag $0x1  }
0x1: {  	s6 =	rddreg [dreg:$0x0]  }
0x2: {  	s1 =	rddreg [dreg:$0x1];
	s3 =	srdreg.scid  }
0x3: {  	s0 =	rddreg [dreg:$0x2];
	s2 =	simm.s32 $0x0;
	s7 =	sand.u32 $0x1, s3  }
0x4: {  	[smem:$0x7FF] =	sst s2;
	s5 =	smul.u32 $0x6800, s7  }
0x5: {  	s15 =	simm.s32 $0x1;
	s3 =	stileid.u32;
	s8 =	smul.u32 $0x27800, s7  }
0x6: {  	s4 =	sadd.s32 $0x1CC00, s6;
	_ =	strace $0x8000004A;
	s10 =	smul.u32 $0x4F000, s3  }
0x7: {  	s30 =	ssub.s32 $0x2, s7;
	s12 =	sshll.u32 s3, $0x6;
	s13 =	smul.u32 $0x680, s3  }
0x8: {  	p0 =	seq.s32 s7, $0x0;
	s7 =	simm.s32 $0x3C;
	s17 =	smul.u32 $0x2780, s3  }
0x9: {  	s11 =	sshrl.u32 s30, $0x1;
	s7 =	simm.s32 @!p0 $0x61;
	s9 =	sadd.s32 s5, s6  }
0xa: {  	s5 =	sadd.s32 $0x43E00, s6;
	s8 =	sadd.s32 s8, s6;
	s10 =	sshrl.u32 s10, $0x2  }
0xb: {  	s11 =	ssub.s32 s30, s11;
	s6 =	sor.u32 $0x1C02, s12;
	s10 =	sadd.s32 s10, s1  }
0xc: {  	s31 =	sadd.s32 $0x2C00, s9;
	s14 =	sadd.s32 $0xFC00, s9;
	s16 =	sadd.s32 $0x46600, s8  }
0xd: {  	s8 =	smax.u32 s11, $0x1;
	s9 =	sshrl.u32 s10, $0x3;
	s10 =	simm.s32 $0x2  }
0xe: {  	s11 =	sadd.s32 s13, s31;
	s12 =	sadd.s32 s13, s14;
	s13 =	simm.s32 $0x80  }
0xf: {  	s14 =	simm.s32 $0x6800;
	s16 =	sadd.s32 s17, s16;
	s17 =	simm.s32 $0x0  }
.LBB2_1:
0x10: {  	[spmem:s9], [sflag:s6] =	dma.local [hbm:s5], $0x2780  }
0x11: {  	_ =	swait.ge [sflag:s10], $0x2780  }
0x12: {  	[sflag:s10] =	ssyncset.done $0x0  }
0x13: {  	[sflag:s10] =	ssyncadd.s32 $0xFFFFD880  }
0x14: {  	[tilespmem:s2], [sflag:$0x2] =	stream.linear.gather [hbm4b:s11+s2], $0x3080, $0x38;
	[tilespmem:$0x1E400] =	vst v63  }
0x15: {  	_ =	swait.ge [sflag:s10], $0x3080  }
0x16: {  	[sflag:s10] =	ssyncset.done $0x0  }
0x17: {  	s18 =	simm.s32 $0x3400;
	[sflag:s10] =	ssyncadd.s32 $0xFFFFCF80  }
0x18: {  	[tilespmem:s18], [sflag:$0x2] =	stream.linear.gather [hbm4b:s12+s2], $0x3080, $0x38;
	[tilespmem:$0x1E400] =	vst v63  }
0x19: {  	_ =	swait.ge [sflag:s10], $0x3080  }
0x1a: {  	[sflag:s10] =	ssyncset.done $0x0  }
0x1b: {  	[sflag:s10] =	ssyncadd.s32 $0xFFFFCF80  }
0x1c: {  	[bflag:$0x0] =	sbarrier.arrive $0xFFFF  }
0x1d: {  	[tilespmem:s14], [sflag:$0x1] =	stream.indirect.gather [hbm4b:s4+s13], $0x80, s2, s13, $0xb8;
	[tilespmem:$0x1E400] =	vst v63  }
0x1e: {  	p0 =	sne.s32 s7, $0x1;
	_ =	swait.ge [sflag:s15], $0x4000  }
.Ltmp0:
0x1f: {  	[sflag:s15] =	ssyncset.done $0x0;
	(pc) =	sbr.rel @!p0 .LBB2_3-.Ltmp0, $4  }
0x20: {  	[sflag:s15] =	ssyncadd.s32 $0xFFFFC000  }
0x21: {  	[spmem:s1] =	stream.indirect.scatter.add.f32 [tilespmem:s14], [sflag:$0x2], $0x80, s18, s13, $0xb8;
	[tilespmem:$0x1E400] =	vst v63  }
0x22: {  	_ =	swait.ge [sflag:s10], $0x4000  }
0x23: {  	s19 =	sadd.s32 $0xFFFFFFFF, s7;
	s20 =	simm.s32 $0x0;
	[sflag:s10] =	ssyncset.done $0x0  }
.LBB2_2:
0x24: {  	[sflag:s10] =	ssyncadd.s32 $0xFFFFC000;
	s20 =	sadd.s32 $0x80, s20;
	s18 =	sadd.s32 $0x80, s18  }
0x25: {  	[tilespmem:s14], [sflag:$0x1] =	stream.indirect.gather [hbm4b:s4+s13], $0x80, s20, s13, $0xb8;
	[tilespmem:$0x1E400] =	vst v63  }
0x26: {  	p0 =	sne.s32 s19, $0x1;
	s19 =	sadd.s32 $0xFFFFFFFF, s19;
	_ =	swait.ge [sflag:s15], $0x4000  }
.Ltmp1:
0x27: {  	[sflag:s15] =	ssyncset.done $0x0;
	(pc) =	sbr.rel @p0 .LBB2_2-.Ltmp1, $4  }
0x28: {  	[sflag:s15] =	ssyncadd.s32 $0xFFFFC000  }
0x29: {  	[spmem:s1] =	stream.indirect.scatter.add.f32 [tilespmem:s14], [sflag:$0x2], $0x80, s18, s13, $0xb8;
	[tilespmem:$0x1E400] =	vst v63  }
0x2a: {  	_ =	swait.ge [sflag:s10], $0x4000  }
0x2b: {  	[sflag:s10] =	ssyncset.done $0x0  }
.LBB2_3:
0x2c: {  	s17 =	sadd.s32 $0x1, s17  }
0x2d: {  	[sflag:s10] =	ssyncadd.s32 $0xFFFFC000;
	p0 =	sne.s32 s17, s8  }
.Ltmp2:
0x2e: {  	[bflag:$0x0] =	sbarrier.arrive $0xFFFF;
	(pc) =	sbr.rel @p0 .LBB2_1-.Ltmp2, $4  }
0x2f: {  	[hbm:s16], [sflag:s6] =	dma.local [spmem:s9], $0x2780  }
0x30: {  	_ =	swait.ge [sflag:s10], $0x2780  }
0x31: {  	[sflag:s10] =	ssyncset.done $0x0  }
0x32: {  	[sflag:s10] =	ssyncadd.s32 $0xFFFFD880  }
0x33: {  	_ =	sfence.sel $0x180000  }
0x34: {  	[bflag:$0x0] =	sbarrier.arrive $0xFFFF  }
0x35: {  	p0 =	sne.s32 s3, $0x0;
	_ =	strace $0x9000004A  }
0x36: {  	s0 =	sadd.s32 @!p0 $0x100000, s0;
	[bflag:$0x2] =	sbarrier.arrive $0xFFFF  }
0x37: {  	[sflag:s0] =	ssyncadd.tile.s32 @!p0 $0x1;
	_ =	shalt  }
.Lfunc_end2:
_tile_overlayer_lowered:
.L_overlay_start_2:
0x38: {  	(tag) =	ssettag $0x2  }
0x39: {  	s0 =	rddreg [dreg:$0x0];
	s2 =	stileid.u32  }
0x3a: {  	s1 =	rddreg [dreg:$0x1];
	p0 =	sne.s32 s2, $0x0  }
0x3b: {  	s3 =	rddreg [dreg:$0x2];
	[bflag:$0x3] =	sbarrier.arrive $0xFFFF;
	s2 =	simm.s32 @!p0 $0x1C02  }
0x3c: {  	[timem:s3], [sflag:s2] =	dma.local @!p0 [hbm:s0], s1  }
0x3d: {  	s0 =	simm.s32 @!p0 $0x2  }
0x3e: {  	_ =	swait.ge @!p0 [sflag:s0], s1  }
0x3f: {  	s1 =	ssub.s32 @!p0 $0x0, s1;
	[sflag:s0] =	ssyncset.done @!p0 $0x0  }
0x40: {  	[sflag:s0] =	ssyncadd.s32 @!p0 s1  }
0x41: {  	[bflag:$0x3] =	sbarrier.arrive $0xFFFF  }
0x42: {  	_ =	shalt  }

// kernel: kernel.9.cloned.1.call-start
scs
__scs_entry_jumppad:
0x0: {  	(pc) =	sbr.rel $0x88, $3  }
0x1: {  	(tag) =	ssettag $0x0;
	lr =	simm.s32 $0x1  }
0x2: {  	[smem:$0x3F90] =	sst lr;
	_ =	strace $0xD0000000  }
0x3: {  	_ = 	snop  }
0x4: {  	_ = 	snop  }
0x5: {  	_ = 	snop  }
0x6: {  	_ = 	snop  }
0x7: {  	_ = 	snop  }
__scs_overlays_trampoline_lowered:
0x8: {  	[smem:$0x3F9F] =	sst s0  }
0x9: {  	[smem:$0x3FA0] =	sst s1  }
0xa: {  	[smem:$0x3FA1] =	sst s2  }
0xb: {  	[smem:$0x3FA2] =	sst s3  }
0xc: {  	[smem:$0x3FA3] =	sst s4  }
0xd: {  	[smem:$0x3FA4] =	sst s5  }
0xe: {  	[smem:$0x3FA5] =	sst s6  }
0xf: {  	[smem:$0x3FA6] =	sst s7  }
0x10: {  	[smem:$0x3FA7] =	sst s8  }
0x11: {  	[smem:$0x3FA8] =	sst s9;
	s0 =	simm.s32 @!p0 $0x0  }
0x12: {  	s1 =	sld [smem:$0x3F8E];
	s0 =	simm.s32 @p0 $0x1  }
0x13: {  	[smem:$0x3FA9] =	sst s0;
	s0 =	simm.s32 @!p1 $0x0  }
0x14: {  	s2 =	sld [smem:$0x3F8D];
	s0 =	simm.s32 @p1 $0x1  }
0x15: {  	[smem:$0x3FAA] =	sst s0;
	s0 =	simm.s32 @!p2 $0x0  }
0x16: {  	s3 =	sld [smem:$0x3FDB];
	s0 =	simm.s32 @p2 $0x1  }
0x17: {  	s4 =	simm.s32 $0x1BF5;
	[smem:$0x3FAC] =	sst s0  }
0x18: {  	s0 =	sld [smem:$0x3F8F];
	_ =	swait.ge [sflag:s4], $0x0  }
0x19: {  	s7 =	sld [smem:$0x3F90]  }
0x1a: {  	s8 =	sadd.s32 $0xFFFFE003, lr  }
0x1b: {  	s9 =	sadd.s32 $0xFFFFFEF7, lr;
	s5 =	simm.s32 $0xFFFFFFFF;
	p2 =	slt.u32 s8, $0xFFFFF086  }
0x1c: {  	p1 =	slt.u32 s9, $0xF7A;
	s5 =	simm.s32 @!p2 $0x0  }
0x1d: {  	s5 =	simm.s32 @p1 $0x1;
	p0 =	seq.s32 s7, s2  }
0x1e: {  	s7 =	smul.u32 @!p0 $0xF7A, s2;
	p2 =	seq.s32 @!p0 s5, $0x0  }
0x1f: {  	s9 =	smul.u32 $0xF7A, s1;
	s8 =	simm.s32 @!p0 $0x1BF5;
	p2 =	por !p2, p0  }
0x20: {  	[sflag:s8] =	ssyncset.s32 @!p0 $0xFFFFF086;
	s6 =	sadd.s32 @!p0 s3, s7;
	s7 =	simm.s32 @!p0 $0x108  }
0x21: {  	s3 =	sadd.s32 s3, s9;
	s6 =	sadd.s32 @!p0 $0x88, s6;
	s7 =	simm.s32 @p2 $0x1082  }
0x22: {  	[simem:s7], [sflag:s8] =	dma.local @!p0 [hbm:s6], $0xF7A  }
0x23: {  	s9 =	sor.u32 $0xD0000000, s2;
	s6 =	simm.s32 $0x108;
	_ =	swait.ge @!p0 [sflag:s8], $0x0  }
0x24: {  	s3 =	sadd.s32 $0x88, s3;
	s6 =	simm.s32 @!p1 $0x1082;
	[sflag:s4] =	ssyncset.s32 $0xFFFFF086  }
0x25: {  	[simem:s6], [sflag:s4] =	dma.local [hbm:s3], $0xF7A  }
0x26: {  	[smem:$0x3F90] =	sst s1;
	(tag) =	ssettag s2;
	_ =	strace s9  }
0x27: {  	s1 =	sld [smem:$0x3FA0]  }
0x28: {  	s2 =	sld [smem:$0x3FA1]  }
0x29: {  	s4 =	sld [smem:$0x3FA3]  }
0x2a: {  	p0 =	seq.s32 s5, $0x0;
	s5 =	sld [smem:$0x3FA4]  }
0x2b: {  	s6 =	sld [smem:$0x3FA5]  }
0x2c: {  	s7 =	sld [smem:$0x3FA6]  }
0x2d: {  	s3 =	simm.s32 $0x108;
	s8 =	sld [smem:$0x3FA7]  }
0x2e: {  	s3 =	simm.s32 @!p0 $0x1082;
	s9 =	sld [smem:$0x3FA8]  }
0x2f: {  	lr =	sadd.s32 s0, s3;
	s0 =	sld [smem:$0x3F9F]  }
0x30: {  	s3 =	sld [smem:$0x3FA2]  }
0x31: {  	[smem:$0x3FAB] =	sst s10  }
0x32: {  	s10 =	sld [smem:$0x3FA9];
	_ =	sdelay $0x3  }
0x33: {  	p0 =	seq.s32 s10, $0x1;
	s10 =	sld [smem:$0x3FAB];
	_ =	sdelay $0x3  }
0x34: {  	[smem:$0x3FAB] =	sst s10  }
0x35: {  	s10 =	sld [smem:$0x3FAA];
	_ =	sdelay $0x3  }
0x36: {  	p1 =	seq.s32 s10, $0x1;
	s10 =	sld [smem:$0x3FAB];
	_ =	sdelay $0x3  }
0x37: {  	[smem:$0x3FAB] =	sst s10  }
0x38: {  	s10 =	sld [smem:$0x3FAC]  }
0x39: {  	_ = 	snop;
	(pc) =	sbr.ind lr, $3  }
0x3a: {  	_ = 	snop  }
0x3b: {  	_ = 	snop  }
0x3c: {  	p2 =	seq.s32 s10, $0x1;
	s10 =	sld [smem:$0x3FAB]  }
0x3d: {  	_ =	shalt  }
0x3e: {  	_ =	shalt  }
0x3f: {  	_ =	shalt  }
0x40: {  	_ =	shalt  }
0x41: {  	_ =	shalt  }
0x42: {  	_ =	shalt  }
0x43: {  	_ =	shalt  }
0x44: {  	_ =	shalt  }
0x45: {  	_ =	shalt  }
0x46: {  	_ =	shalt  }
0x47: {  	_ =	shalt  }
0x48: {  	_ =	shalt  }
0x49: {  	_ =	shalt  }
0x4a: {  	_ =	shalt  }
0x4b: {  	_ =	shalt  }
0x4c: {  	_ =	shalt  }
0x4d: {  	_ =	shalt  }
0x4e: {  	_ =	shalt  }
0x4f: {  	_ =	shalt  }
0x50: {  	_ =	shalt  }
0x51: {  	_ =	shalt  }
0x52: {  	_ =	shalt  }
0x53: {  	_ =	shalt  }
0x54: {  	_ =	shalt  }
0x55: {  	_ =	shalt  }
0x56: {  	_ =	shalt  }
0x57: {  	_ =	shalt  }
0x58: {  	_ =	shalt  }
0x59: {  	_ =	shalt  }
0x5a: {  	_ =	shalt  }
0x5b: {  	_ =	shalt  }
0x5c: {  	_ =	shalt  }
0x5d: {  	_ =	shalt  }
0x5e: {  	_ =	shalt  }
0x5f: {  	_ =	shalt  }
0x60: {  	_ =	shalt  }
0x61: {  	_ =	shalt  }
0x62: {  	_ =	shalt  }
0x63: {  	_ =	shalt  }
0x64: {  	_ =	shalt  }
0x65: {  	_ =	shalt  }
0x66: {  	_ =	shalt  }
0x67: {  	_ =	shalt  }
0x68: {  	_ =	shalt  }
0x69: {  	_ =	shalt  }
0x6a: {  	_ =	shalt  }
0x6b: {  	_ =	shalt  }
0x6c: {  	_ =	shalt  }
0x6d: {  	_ =	shalt  }
0x6e: {  	_ =	shalt  }
0x6f: {  	_ =	shalt  }
0x70: {  	_ =	shalt  }
0x71: {  	_ =	shalt  }
0x72: {  	_ =	shalt  }
0x73: {  	_ =	shalt  }
0x74: {  	_ =	shalt  }
0x75: {  	_ =	shalt  }
0x76: {  	_ =	shalt  }
0x77: {  	_ =	shalt  }
0x78: {  	_ =	shalt  }
0x79: {  	_ =	shalt  }
0x7a: {  	_ =	shalt  }
0x7b: {  	_ =	shalt  }
0x7c: {  	_ =	shalt  }
0x7d: {  	_ =	shalt  }
0x7e: {  	_ =	shalt  }
0x7f: {  	_ =	shalt  }
0x80: {  	_ =	shalt  }
0x81: {  	_ =	shalt  }
0x82: {  	_ =	shalt  }
0x83: {  	_ =	shalt  }
0x84: {  	_ =	shalt  }
0x85: {  	_ =	shalt  }
0x86: {  	_ =	shalt  }
0x87: {  	_ =	shalt  }
.Lfunc_end0:
.L_simem_size_0:
called_computation_lowered:
.L_overlay_start_0:
0x88: {  	s2 =	sld [smem:$0x3FD9]  }
0x89: {  	s3 =	sld [smem:$0x3FFE];
	_ =	sdelay $0x1  }
0x8a: {  	s1 =	srdreg.scid  }
0x8b: {  	s0 =	sand.u32 $0x1, s1  }
0x8c: {  	s16 =	sshll.u32 s0, $0xA;
	s2 =	sadd.s32 s3, s2  }
0x8d: {  	s2 =	sadd.s32 s2, s16  }
0x8e: {  	[smem:$0x3FB7] =	sst s2  }
0x8f: {  	_ = 	snop  }
0x90: {  	(tm) =	ssettm $0x1  }
0x91: {  	s17 =	sld [smem:$0x3FFB];
	_ =	sdelay $0x3  }
0x92: {  	_ =	strace s17  }
0x93: {  	s2 =	sld [smem:$0x3FFC];
	_ =	sdelay $0x3  }
0x94: {  	_ =	strace s2  }
0x95: {  	s2 =	sld [smem:$0x3FFD];
	_ =	sdelay $0x3  }
0x96: {  	_ =	strace s2  }
0x97: {  	_ =	strace $0x8FFFFFFF  }
0x98: {  	s18 =	sld [smem:$0x3FDB];
	_ =	sdelay $0x1  }
0x99: {  	s19 =	simm.s32 $_scs_section_size  }
0x9a: {  	s4 =	simm.s32 $_size__tile_overlayer_lowered;
	s5 =	simm.s32 $_tile_overlayer_lowered  }
0x9b: {  	s22 =	simm.s32 $0x1BFF;
	s21 =	sshll.u32 s5, $0x1;
	s2 =	sadd.s32 s19, s18  }
0x9c: {  	s6 =	simm.s32 $0x0;
	s20 =	sshll.u32 s4, $0x1;
	s4 =	sadd.s32 s21, s2  }
0x9d: {  	[timem:s6], [sflag:s22] =	dma.local [hbm:s4], s20  }
0x9e: {  	_ =	swait.ge [sflag:s22], s20  }
0x9f: {  	s3 =	ssub.s32 $0x0, s20;
	[sflag:s22] =	ssyncset.done $0x0  }
0xa0: {  	[sflag:s22] =	ssyncadd.s32 s3;
	_ =	sdelay $0x1  }
0xa1: {  	s23 =	simm.s32 $0x1B8B  }
0xa2: {  	_ =	swait.ge [sflag:s23], $0x1  }
0xa3: {  	[sflag:s23] =	ssyncset.done $0x0  }
0xa4: {  	s25 =	simm.s32 $0x1B8E;
	s24 =	sld [smem:$0x3FFE];
	[sflag:s23] =	ssyncadd.s32 $0xFFFFFFFF  }
0xa5: {  	s26 =	simm.s32 $execute0_lowered;
	[smem:$0x3FD2] =	sst s25  }
0xa6: {  	s4 =	sshll.u32 s26, $0x1;
	_ =	strace $0x80000046;
	[dreg:$0x1] =	wrdreg $0xFFFFFFFF  }
0xa7: {  	s28 =	simm.s32 $_size_execute0_lowered;
	s2 =	sadd.s32 s2, s4;
	[dreg:$0x0] =	wrdreg $0x0  }
0xa8: {  	s4 =	sshll.u32 s28, $0x1;
	[dreg:$0x2] =	wrdreg s2  }
0xa9: {  	[dreg:$0x3] =	wrdreg s4  }
0xaa: {  	[dreg:$0x4] =	wrdreg $0xC0  }
0xab: {  	_ =	task [dreg:s6], $0x5FFFF  }
0xac: {  	[dreg:$0x1] =	wrdreg $0xFFFFFFFF  }
0xad: {  	[dreg:$0x0] =	wrdreg $0x60  }
0xae: {  	[dreg:$0x2] =	wrdreg s24  }
0xaf: {  	[dreg:$0x3] =	wrdreg $0xA8000  }
0xb0: {  	[dreg:$0x4] =	wrdreg $0x9  }
0xb1: {  	_ =	task.clear_ibuf [dreg:s6], $0x5FFFF;
	_ =	strace $0x90000046  }
0xb2: {  	s29 =	simm.s32 $0x9;
	_ =	strace $0x80000048  }
0xb3: {  	_ =	swait.ge [sflag:s29], $0x1  }
0xb4: {  	[sflag:s29] =	ssyncadd.s32 $0xFFFFFFFF  }
0xb5: {  	_ =	strace $0x90000048  }
0xb6: {  	_ =	sfence  }
0xb7: {  	s30 =	sld [smem:$0x0];
	_ =	sdelay $0x2  }
0xb8: {  	s31 =	sshll.u32 s1, $0xD;
	s1 =	sshrl.u32 s1, $0x2  }
0xb9: {  	s3 =	sand.u32 $0x4000, s31;
	s1 =	sadd.s32 s1, s30  }
0xba: {  	s0 =	sor.u32 s3, s0;
	s1 =	sshll.u32 s1, $0x11  }
0xbb: {  	s0 =	sor.u32 s1, s0  }
0xbc: {  	s0 =	sadd.s32 $0x8F2B, s0  }
0xbd: {  	[sflag:s0] =	ssyncadd.remote.s32 $0x1  }
0xbe: {  	_ =	sfence.sel $0xFFFF  }
0xbf: {  	[dreg:$0x0] =	wrdreg $0xFFFFFFFF;
	(pc) =	sbr.abs _section_cstart, $3  }
0xc0: {  	[dreg:$0x1] =	wrdreg $0xFFFFFFFF  }
0xc1: {  	_ =	task.clear_ibuf [dreg:s6], $0x2FFFF;
	_ =	strace $0x9FFFFFFF  }
0xc2: {  	(tm) =	ssettm $0x7FFFFFFF  }
0xc3: {  	_ =	shalt  }
tec
execute0_lowered:
.L_overlay_start_1:
0x0: {  	(tag) =	ssettag $0x1  }
0x1: {  	s6 =	rddreg [dreg:$0x0]  }
0x2: {  	s1 =	rddreg [dreg:$0x1];
	s3 =	srdreg.scid  }
0x3: {  	s0 =	rddreg [dreg:$0x2];
	s2 =	simm.s32 $0x0;
	s7 =	sand.u32 $0x1, s3  }
0x4: {  	[smem:$0x7FF] =	sst s2;
	s5 =	smul.u32 $0x6800, s7  }
0x5: {  	s15 =	simm.s32 $0x1;
	s3 =	stileid.u32;
	s8 =	smul.u32 $0x27800, s7  }
0x6: {  	s4 =	sadd.s32 $0x1CC00, s6;
	_ =	strace $0x80000047;
	s10 =	smul.u32 $0x4F000, s3  }
0x7: {  	s30 =	ssub.s32 $0x2, s7;
	s12 =	sshll.u32 s3, $0x6;
	s13 =	smul.u32 $0x680, s3  }
0x8: {  	p0 =	seq.s32 s7, $0x0;
	s7 =	simm.s32 $0x3C;
	s17 =	smul.u32 $0x2780, s3  }
0x9: {  	s11 =	sshrl.u32 s30, $0x1;
	s7 =	simm.s32 @!p0 $0x61;
	s9 =	sadd.s32 s5, s6  }
0xa: {  	s5 =	sadd.s32 $0x43E00, s6;
	s8 =	sadd.s32 s8, s6;
	s10 =	sshrl.u32 s10, $0x2  }
0xb: {  	s11 =	ssub.s32 s30, s11;
	s6 =	sor.u32 $0x1C02, s12;
	s10 =	sadd.s32 s10, s1  }
0xc: {  	s31 =	sadd.s32 $0x2C00, s9;
	s14 =	sadd.s32 $0xFC00, s9;
	s16 =	sadd.s32 $0x46600, s8  }
0xd: {  	s8 =	smax.u32 s11, $0x1;
	s9 =	sshrl.u32 s10, $0x3;
	s10 =	simm.s32 $0x2  }
0xe: {  	s11 =	sadd.s32 s13, s31;
	s12 =	sadd.s32 s13, s14;
	s13 =	simm.s32 $0x80  }
0xf: {  	s14 =	simm.s32 $0x6800;
	s16 =	sadd.s32 s17, s16;
	s17 =	simm.s32 $0x0  }
.LBB2_1:
0x10: {  	[spmem:s9], [sflag:s6] =	dma.local [hbm:s5], $0x2780  }
0x11: {  	_ =	swait.ge [sflag:s10], $0x2780  }
0x12: {  	[sflag:s10] =	ssyncset.done $0x0  }
0x13: {  	[sflag:s10] =	ssyncadd.s32 $0xFFFFD880  }
0x14: {  	[tilespmem:s2], [sflag:$0x2] =	stream.linear.gather [hbm4b:s11+s2], $0x3080, $0x38;
	[tilespmem:$0x1E400] =	vst v63  }
0x15: {  	_ =	swait.ge [sflag:s10], $0x3080  }
0x16: {  	[sflag:s10] =	ssyncset.done $0x0  }
0x17: {  	s18 =	simm.s32 $0x3400;
	[sflag:s10] =	ssyncadd.s32 $0xFFFFCF80  }
0x18: {  	[tilespmem:s18], [sflag:$0x2] =	stream.linear.gather [hbm4b:s12+s2], $0x3080, $0x38;
	[tilespmem:$0x1E400] =	vst v63  }
0x19: {  	_ =	swait.ge [sflag:s10], $0x3080  }
0x1a: {  	[sflag:s10] =	ssyncset.done $0x0  }
0x1b: {  	[sflag:s10] =	ssyncadd.s32 $0xFFFFCF80  }
0x1c: {  	[bflag:$0x0] =	sbarrier.arrive $0xFFFF  }
0x1d: {  	[tilespmem:s14], [sflag:$0x1] =	stream.indirect.gather [hbm4b:s4+s13], $0x80, s2, s13, $0xb8;
	[tilespmem:$0x1E400] =	vst v63  }
0x1e: {  	p0 =	sne.s32 s7, $0x1;
	_ =	swait.ge [sflag:s15], $0x4000  }
.Ltmp0:
0x1f: {  	[sflag:s15] =	ssyncset.done $0x0;
	(pc) =	sbr.rel @!p0 .LBB2_3-.Ltmp0, $4  }
0x20: {  	[sflag:s15] =	ssyncadd.s32 $0xFFFFC000  }
0x21: {  	[spmem:s1] =	stream.indirect.scatter.add.f32 [tilespmem:s14], [sflag:$0x2], $0x80, s18, s13, $0xb8;
	[tilespmem:$0x1E400] =	vst v63  }
0x22: {  	_ =	swait.ge [sflag:s10], $0x4000  }
0x23: {  	s19 =	sadd.s32 $0xFFFFFFFF, s7;
	s20 =	simm.s32 $0x0;
	[sflag:s10] =	ssyncset.done $0x0  }
.LBB2_2:
0x24: {  	[sflag:s10] =	ssyncadd.s32 $0xFFFFC000;
	s20 =	sadd.s32 $0x80, s20;
	s18 =	sadd.s32 $0x80, s18  }
0x25: {  	[tilespmem:s14], [sflag:$0x1] =	stream.indirect.gather [hbm4b:s4+s13], $0x80, s20, s13, $0xb8;
	[tilespmem:$0x1E400] =	vst v63  }
0x26: {  	p0 =	sne.s32 s19, $0x1;
	s19 =	sadd.s32 $0xFFFFFFFF, s19;
	_ =	swait.ge [sflag:s15], $0x4000  }
.Ltmp1:
0x27: {  	[sflag:s15] =	ssyncset.done $0x0;
	(pc) =	sbr.rel @p0 .LBB2_2-.Ltmp1, $4  }
0x28: {  	[sflag:s15] =	ssyncadd.s32 $0xFFFFC000  }
0x29: {  	[spmem:s1] =	stream.indirect.scatter.add.f32 [tilespmem:s14], [sflag:$0x2], $0x80, s18, s13, $0xb8;
	[tilespmem:$0x1E400] =	vst v63  }
0x2a: {  	_ =	swait.ge [sflag:s10], $0x4000  }
0x2b: {  	[sflag:s10] =	ssyncset.done $0x0  }
.LBB2_3:
0x2c: {  	s17 =	sadd.s32 $0x1, s17  }
0x2d: {  	[sflag:s10] =	ssyncadd.s32 $0xFFFFC000;
	p0 =	sne.s32 s17, s8  }
.Ltmp2:
0x2e: {  	[bflag:$0x0] =	sbarrier.arrive $0xFFFF;
	(pc) =	sbr.rel @p0 .LBB2_1-.Ltmp2, $4  }
0x2f: {  	[hbm:s16], [sflag:s6] =	dma.local [spmem:s9], $0x2780  }
0x30: {  	_ =	swait.ge [sflag:s10], $0x2780  }
0x31: {  	[sflag:s10] =	ssyncset.done $0x0  }
0x32: {  	[sflag:s10] =	ssyncadd.s32 $0xFFFFD880  }
0x33: {  	_ =	sfence.sel $0x180000  }
0x34: {  	[bflag:$0x0] =	sbarrier.arrive $0xFFFF  }
0x35: {  	p0 =	sne.s32 s3, $0x0;
	_ =	strace $0x90000047  }
0x36: {  	s0 =	sadd.s32 @!p0 $0x100000, s0;
	[bflag:$0x2] =	sbarrier.arrive $0xFFFF  }
0x37: {  	[sflag:s0] =	ssyncadd.tile.s32 @!p0 $0x1;
	_ =	shalt  }
.Lfunc_end2:
_tile_overlayer_lowered:
.L_overlay_start_2:
0x38: {  	(tag) =	ssettag $0x2  }
0x39: {  	s0 =	rddreg [dreg:$0x0];
	s2 =	stileid.u32  }
0x3a: {  	s1 =	rddreg [dreg:$0x1];
	p0 =	sne.s32 s2, $0x0  }
0x3b: {  	s3 =	rddreg [dreg:$0x2];
	[bflag:$0x3] =	sbarrier.arrive $0xFFFF;
	s2 =	simm.s32 @!p0 $0x1C02  }
0x3c: {  	[timem:s3], [sflag:s2] =	dma.local @!p0 [hbm:s0], s1  }
0x3d: {  	s0 =	simm.s32 @!p0 $0x2  }
0x3e: {  	_ =	swait.ge @!p0 [sflag:s0], s1  }
0x3f: {  	s1 =	ssub.s32 @!p0 $0x0, s1;
	[sflag:s0] =	ssyncset.done @!p0 $0x0  }
0x40: {  	[sflag:s0] =	ssyncadd.s32 @!p0 s1  }
0x41: {  	[bflag:$0x3] =	sbarrier.arrive $0xFFFF  }
0x42: {  	_ =	shalt  }

</sc_bundles>
